<compile_context>
chip_gen: v7x
topology: tpu7x:2x2x1
jax: 0.10.2.dev20260603
libtpu: 0.0.44.dev20260713+nightly
codegen_flags: <defaults>
</compile_context>

<pallas_src>
import functools

import jax
from jax import lax
from jax.experimental import pallas as pl
from jax.experimental.pallas import tpu as pltpu
from jax.experimental.pallas import tpu_sc as plsc

_CHUNK_ROWS = 16
_NCHUNK_PATH = 4


def kernel(x, emb_weight):
    seq_len = x.shape[1]
    dim = emb_weight.shape[1]
    info = plsc.get_sparse_core_info()
    num_cores = info.num_cores
    ns = info.num_subcores
    nw = num_cores * ns
    rows_per_w = seq_len // nw
    path_rows = _NCHUNK_PATH * _CHUNK_ROWS
    mesh = plsc.VectorSubcoreMesh(
        core_axis_name="c", subcore_axis_name="s", num_cores=num_cores
    )

    @functools.partial(
        pl.kernel,
        mesh=mesh,
        out_type=jax.ShapeDtypeStruct((seq_len, dim), emb_weight.dtype),
        scratch_types=[
            pltpu.VMEM((_NCHUNK_PATH, _CHUNK_ROWS, dim), emb_weight.dtype),
            pltpu.VMEM_SHARED(
                (ns, _NCHUNK_PATH, _CHUNK_ROWS, dim), emb_weight.dtype
            ),
        ]
        + [pltpu.SemaphoreType.DMA] * (4 * _NCHUNK_PATH),
    )
    def copy_k(table_hbm, out_hbm, buf_a, shared, *sems):
        sid = lax.axis_index("s")
        wid = sid * num_cores + lax.axis_index("c")
        base = wid * rows_per_w
        buf_b = shared.at[sid]
        in_a = sems[:_NCHUNK_PATH]
        in_b = sems[_NCHUNK_PATH : 2 * _NCHUNK_PATH]
        out_a = sems[2 * _NCHUNK_PATH : 3 * _NCHUNK_PATH]
        out_b = sems[3 * _NCHUNK_PATH :]

        def rows(path, i):
            return pl.ds(base + path * path_rows + i * _CHUNK_ROWS, _CHUNK_ROWS)

        gathers = []
        for i in range(_NCHUNK_PATH):
            gathers.append(
                pltpu.async_copy(table_hbm.at[rows(0, i)], buf_a.at[i], in_a[i])
            )
            gathers.append(
                pltpu.async_copy(table_hbm.at[rows(1, i)], buf_b.at[i], in_b[i])
            )
        scatters = []
        for i in range(_NCHUNK_PATH):
            gathers[2 * i].wait()
            scatters.append(
                pltpu.async_copy(buf_a.at[i], out_hbm.at[rows(0, i)], out_a[i])
            )
            gathers[2 * i + 1].wait()
            scatters.append(
                pltpu.async_copy(buf_b.at[i], out_hbm.at[rows(1, i)], out_b[i])
            )
        for s in scatters:
            s.wait()

    return copy_k(emb_weight)[None, :, :]

# --- scband reference (transcript-rebuilt; emitter-appended) ---
"""Pipeline reference for scband-absolute-positional-embedding-29755533427241 (READ-ONLY COPY).

The authoritative reference and input builder live on the scoring server;
editing this copy changes nothing except your own understanding.
"""

import jax, jax.numpy as jnp
import numpy as np

DIM = 1024
MAX_SEQ_LEN = 8192

def setup_inputs(seed: int = 0) -> dict:
    key = jax.random.key(seed)
    k1, k2 = jax.random.split(key)
    x = jax.random.normal(k1, (4, 4096, DIM), dtype=jnp.float32)
    emb_weight = jax.random.normal(k2, (MAX_SEQ_LEN, DIM), dtype=jnp.float32) * 0.02
    return {"x": x, "emb_weight": emb_weight}

def reference(x, emb_weight):
    n = jnp.arange(x.shape[1])
    out = jnp.take(emb_weight, n, axis=0)
    return out[None, :, :]

if __name__ == "__main__":
    import jax
    _d = setup_inputs()
    print(jax.jit(kernel)(*tuple(_d.values())))

</pallas_src>

<mosaic_0001>
#map = affine_map<(d0, d1) -> (0, 0)>
module attributes {stable_mosaic.version = 14 : i64} {
  func.func @copy_k(%arg0: i32, %arg1: i32, %arg2: memref<8192x1024xf32, #tpu.memory_space<hbm>>, %arg3: memref<4096x1024xf32, #tpu.memory_space<hbm>>, %arg4: memref<4x16x1024xf32, #tpu.memory_space<vmem>>, %arg5: memref<16x4x16x1024xf32, #tpu.memory_space<vmem_shared>>, %arg6: memref<!tpu.dma_semaphore, #tpu.memory_space<semaphore_mem>>, %arg7: memref<!tpu.dma_semaphore, #tpu.memory_space<semaphore_mem>>, %arg8: memref<!tpu.dma_semaphore, #tpu.memory_space<semaphore_mem>>, %arg9: memref<!tpu.dma_semaphore, #tpu.memory_space<semaphore_mem>>, %arg10: memref<!tpu.dma_semaphore, #tpu.memory_space<semaphore_mem>>, %arg11: memref<!tpu.dma_semaphore, #tpu.memory_space<semaphore_mem>>, %arg12: memref<!tpu.dma_semaphore, #tpu.memory_space<semaphore_mem>>, %arg13: memref<!tpu.dma_semaphore, #tpu.memory_space<semaphore_mem>>, %arg14: memref<!tpu.dma_semaphore, #tpu.memory_space<semaphore_mem>>, %arg15: memref<!tpu.dma_semaphore, #tpu.memory_space<semaphore_mem>>, %arg16: memref<!tpu.dma_semaphore, #tpu.memory_space<semaphore_mem>>, %arg17: memref<!tpu.dma_semaphore, #tpu.memory_space<semaphore_mem>>, %arg18: memref<!tpu.dma_semaphore, #tpu.memory_space<semaphore_mem>>, %arg19: memref<!tpu.dma_semaphore, #tpu.memory_space<semaphore_mem>>, %arg20: memref<!tpu.dma_semaphore, #tpu.memory_space<semaphore_mem>>, %arg21: memref<!tpu.dma_semaphore, #tpu.memory_space<semaphore_mem>>) attributes {dimension_semantics = [#tpu.dimension_semantics<core_parallel>, #tpu.dimension_semantics<subcore_parallel>], iteration_bounds = array<i64: 2, 16>, scalar_prefetch = 0 : i64, scratch_operands = 18 : i64, tpu.core_type = #tpu.core_type<sc_vector_subcore>, window_params = [{transform_indices = #map}, {transform_indices = #map}]} {
    %mul3A = arith.constant 2 : i32
    %mul3A_0 = arith.muli %arg1, %mul3A : i32
    %add3A = arith.addi %mul3A_0, %arg0 : i32
    %mul3A_1 = arith.constant 128 : i32
    %mul3A_2 = arith.muli %add3A, %mul3A_1 : i32
    %add3A_3 = arith.constant 0 : i32
    %add3A_4 = arith.addi %mul3A_2, %add3A_3 : i32
    %add3A_5 = arith.constant 0 : i32
    %add3A_6 = arith.addi %add3A_4, %add3A_5 : i32
    %dma_start3A = arith.constant 0 : i32
    %dma_start3A_7 = arith.constant 0 : i32
    %dma_start3A_8 = arith.constant 0 : i32
    %dma_start3A_9 = tpu.memref_slice %arg4[%dma_start3A, %dma_start3A_7, %dma_start3A_8] : memref<4x16x1024xf32, #tpu.memory_space<vmem>> -> memref<1x16x1024xf32, #tpu.memory_space<vmem>>
    %dma_start3A_10 = tpu.memref_squeeze %dma_start3A_9 : memref<1x16x1024xf32, #tpu.memory_space<vmem>> -> memref<16x1024xf32, #tpu.memory_space<vmem>>
    %dma_start3A_11 = arith.constant 0 : i32
    %dma_start3A_12 = tpu.memref_slice %arg2[%add3A_6, %dma_start3A_11] : memref<8192x1024xf32, #tpu.memory_space<hbm>> -> memref<16x1024xf32, #tpu.memory_space<hbm>>
    %dma_start3A_13 = arith.constant 0 : i32
    %dma_start3A_14 = arith.constant 0 : i32
    %dma_start3A_15 = tpu.memref_slice %arg4[%dma_start3A, %dma_start3A_13, %dma_start3A_14] : memref<4x16x1024xf32, #tpu.memory_space<vmem>> -> memref<1x16x1024xf32, #tpu.memory_space<vmem>>
    %dma_start3A_16 = tpu.memref_squeeze %dma_start3A_15 : memref<1x16x1024xf32, #tpu.memory_space<vmem>> -> memref<16x1024xf32, #tpu.memory_space<vmem>>
    %dma_start3A_17 = arith.constant 0 : i32
    %dma_start3A_18 = tpu.memref_slice %arg2[%add3A_6, %dma_start3A_17] : memref<8192x1024xf32, #tpu.memory_space<hbm>> -> memref<16x1024xf32, #tpu.memory_space<hbm>>
    tpu.enqueue_dma source(%dma_start3A_18 : memref<16x1024xf32, #tpu.memory_space<hbm>>) target(%dma_start3A_16 : memref<16x1024xf32, #tpu.memory_space<vmem>>) target_semaphore(%arg6 : memref<!tpu.dma_semaphore, #tpu.memory_space<semaphore_mem>>)
    %add3A_19 = arith.constant 64 : i32
    %add3A_20 = arith.addi %mul3A_2, %add3A_19 : i32
    %add3A_21 = arith.constant 0 : i32
    %add3A_22 = arith.addi %add3A_20, %add3A_21 : i32
    %dma_start3A_23 = arith.constant 0 : i32
    %dma_start3A_24 = arith.constant 0 : i32
    %dma_start3A_25 = arith.constant 0 : i32
    %dma_start3A_26 = arith.constant 0 : i32
    %dma_start3A_27 = tpu.memref_slice %arg5[%arg1, %dma_start3A_24, %dma_start3A_25, %dma_start3A_26] : memref<16x4x16x1024xf32, #tpu.memory_space<vmem_shared>> -> memref<1x4x16x1024xf32, #tpu.memory_space<vmem_shared>>
    %dma_start3A_28 = tpu.memref_squeeze %dma_start3A_27 : memref<1x4x16x1024xf32, #tpu.memory_space<vmem_shared>> -> memref<4x16x1024xf32, #tpu.memory_space<vmem_shared>>
    %dma_start3A_29 = arith.constant 0 : i32
    %dma_start3A_30 = arith.constant 0 : i32
    %dma_start3A_31 = tpu.memref_slice %dma_start3A_28[%dma_start3A_23, %dma_start3A_29, %dma_start3A_30] : memref<4x16x1024xf32, #tpu.memory_space<vmem_shared>> -> memref<1x16x1024xf32, #tpu.memory_space<vmem_shared>>
    %dma_start3A_32 = tpu.memref_squeeze %dma_start3A_31 : memref<1x16x1024xf32, #tpu.memory_space<vmem_shared>> -> memref<16x1024xf32, #tpu.memory_space<vmem_shared>>
    %dma_start3A_33 = arith.constant 0 : i32
    %dma_start3A_34 = tpu.memref_slice %arg2[%add3A_22, %dma_start3A_33] : memref<8192x1024xf32, #tpu.memory_space<hbm>> -> memref<16x1024xf32, #tpu.memory_space<hbm>>
    tpu.enqueue_dma source(%dma_start3A_34 : memref<16x1024xf32, #tpu.memory_space<hbm>>) target(%dma_start3A_32 : memref<16x1024xf32, #tpu.memory_space<vmem_shared>>) target_semaphore(%arg10 : memref<!tpu.dma_semaphore, #tpu.memory_space<semaphore_mem>>)
    %add3A_35 = arith.constant 0 : i32
    %add3A_36 = arith.addi %mul3A_2, %add3A_35 : i32
    %add3A_37 = arith.constant 16 : i32
    %add3A_38 = arith.addi %add3A_36, %add3A_37 : i32
    %dma_start3A_39 = arith.constant 1 : i32
    %dma_start3A_40 = arith.constant 0 : i32
    %dma_start3A_41 = arith.constant 0 : i32
    %dma_start3A_42 = tpu.memref_slice %arg4[%dma_start3A_39, %dma_start3A_40, %dma_start3A_41] : memref<4x16x1024xf32, #tpu.memory_space<vmem>> -> memref<1x16x1024xf32, #tpu.memory_space<vmem>>
    %dma_start3A_43 = tpu.memref_squeeze %dma_start3A_42 : memref<1x16x1024xf32, #tpu.memory_space<vmem>> -> memref<16x1024xf32, #tpu.memory_space<vmem>>
    %dma_start3A_44 = arith.constant 0 : i32
    %dma_start3A_45 = tpu.memref_slice %arg2[%add3A_38, %dma_start3A_44] : memref<8192x1024xf32, #tpu.memory_space<hbm>> -> memref<16x1024xf32, #tpu.memory_space<hbm>>
    %dma_start3A_46 = arith.constant 0 : i32
    %dma_start3A_47 = arith.constant 0 : i32
    %dma_start3A_48 = tpu.memref_slice %arg4[%dma_start3A_39, %dma_start3A_46, %dma_start3A_47] : memref<4x16x1024xf32, #tpu.memory_space<vmem>> -> memref<1x16x1024xf32, #tpu.memory_space<vmem>>
    %dma_start3A_49 = tpu.memref_squeeze %dma_start3A_48 : memref<1x16x1024xf32, #tpu.memory_space<vmem>> -> memref<16x1024xf32, #tpu.memory_space<vmem>>
    %dma_start3A_50 = arith.constant 0 : i32
    %dma_start3A_51 = tpu.memref_slice %arg2[%add3A_38, %dma_start3A_50] : memref<8192x1024xf32, #tpu.memory_space<hbm>> -> memref<16x1024xf32, #tpu.memory_space<hbm>>
    tpu.enqueue_dma source(%dma_start3A_51 : memref<16x1024xf32, #tpu.memory_space<hbm>>) target(%dma_start3A_49 : memref<16x1024xf32, #tpu.memory_space<vmem>>) target_semaphore(%arg7 : memref<!tpu.dma_semaphore, #tpu.memory_space<semaphore_mem>>)
    %add3A_52 = arith.constant 64 : i32
    %add3A_53 = arith.addi %mul3A_2, %add3A_52 : i32
    %add3A_54 = arith.constant 16 : i32
    %add3A_55 = arith.addi %add3A_53, %add3A_54 : i32
    %dma_start3A_56 = arith.constant 1 : i32
    %dma_start3A_57 = arith.constant 0 : i32
    %dma_start3A_58 = arith.constant 0 : i32
    %dma_start3A_59 = arith.constant 0 : i32
    %dma_start3A_60 = tpu.memref_slice %arg5[%arg1, %dma_start3A_57, %dma_start3A_58, %dma_start3A_59] : memref<16x4x16x1024xf32, #tpu.memory_space<vmem_shared>> -> memref<1x4x16x1024xf32, #tpu.memory_space<vmem_shared>>
    %dma_start3A_61 = tpu.memref_squeeze %dma_start3A_60 : memref<1x4x16x1024xf32, #tpu.memory_space<vmem_shared>> -> memref<4x16x1024xf32, #tpu.memory_space<vmem_shared>>
    %dma_start3A_62 = arith.constant 0 : i32
    %dma_start3A_63 = arith.constant 0 : i32
    %dma_start3A_64 = tpu.memref_slice %dma_start3A_61[%dma_start3A_56, %dma_start3A_62, %dma_start3A_63] : memref<4x16x1024xf32, #tpu.memory_space<vmem_shared>> -> memref<1x16x1024xf32, #tpu.memory_space<vmem_shared>>
    %dma_start3A_65 = tpu.memref_squeeze %dma_start3A_64 : memref<1x16x1024xf32, #tpu.memory_space<vmem_shared>> -> memref<16x1024xf32, #tpu.memory_space<vmem_shared>>
    %dma_start3A_66 = arith.constant 0 : i32
    %dma_start3A_67 = tpu.memref_slice %arg2[%add3A_55, %dma_start3A_66] : memref<8192x1024xf32, #tpu.memory_space<hbm>> -> memref<16x1024xf32, #tpu.memory_space<hbm>>
    tpu.enqueue_dma source(%dma_start3A_67 : memref<16x1024xf32, #tpu.memory_space<hbm>>) target(%dma_start3A_65 : memref<16x1024xf32, #tpu.memory_space<vmem_shared>>) target_semaphore(%arg11 : memref<!tpu.dma_semaphore, #tpu.memory_space<semaphore_mem>>)
    %add3A_68 = arith.constant 0 : i32
    %add3A_69 = arith.addi %mul3A_2, %add3A_68 : i32
    %add3A_70 = arith.constant 32 : i32
    %add3A_71 = arith.addi %add3A_69, %add3A_70 : i32
    %dma_start3A_72 = arith.constant 2 : i32
    %dma_start3A_73 = arith.constant 0 : i32
    %dma_start3A_74 = arith.constant 0 : i32
    %dma_start3A_75 = tpu.memref_slice %arg4[%dma_start3A_72, %dma_start3A_73, %dma_start3A_74] : memref<4x16x1024xf32, #tpu.memory_space<vmem>> -> memref<1x16x1024xf32, #tpu.memory_space<vmem>>
    %dma_start3A_76 = tpu.memref_squeeze %dma_start3A_75 : memref<1x16x1024xf32, #tpu.memory_space<vmem>> -> memref<16x1024xf32, #tpu.memory_space<vmem>>
    %dma_start3A_77 = arith.constant 0 : i32
    %dma_start3A_78 = tpu.memref_slice %arg2[%add3A_71, %dma_start3A_77] : memref<8192x1024xf32, #tpu.memory_space<hbm>> -> memref<16x1024xf32, #tpu.memory_space<hbm>>
    %dma_start3A_79 = arith.constant 0 : i32
    %dma_start3A_80 = arith.constant 0 : i32
    %dma_start3A_81 = tpu.memref_slice %arg4[%dma_start3A_72, %dma_start3A_79, %dma_start3A_80] : memref<4x16x1024xf32, #tpu.memory_space<vmem>> -> memref<1x16x1024xf32, #tpu.memory_space<vmem>>
    %dma_start3A_82 = tpu.memref_squeeze %dma_start3A_81 : memref<1x16x1024xf32, #tpu.memory_space<vmem>> -> memref<16x1024xf32, #tpu.memory_space<vmem>>
    %dma_start3A_83 = arith.constant 0 : i32
    %dma_start3A_84 = tpu.memref_slice %arg2[%add3A_71, %dma_start3A_83] : memref<8192x1024xf32, #tpu.memory_space<hbm>> -> memref<16x1024xf32, #tpu.memory_space<hbm>>
    tpu.enqueue_dma source(%dma_start3A_84 : memref<16x1024xf32, #tpu.memory_space<hbm>>) target(%dma_start3A_82 : memref<16x1024xf32, #tpu.memory_space<vmem>>) target_semaphore(%arg8 : memref<!tpu.dma_semaphore, #tpu.memory_space<semaphore_mem>>)
    %add3A_85 = arith.constant 64 : i32
    %add3A_86 = arith.addi %mul3A_2, %add3A_85 : i32
    %add3A_87 = arith.constant 32 : i32
    %add3A_88 = arith.addi %add3A_86, %add3A_87 : i32
    %dma_start3A_89 = arith.constant 2 : i32
    %dma_start3A_90 = arith.constant 0 : i32
    %dma_start3A_91 = arith.constant 0 : i32
    %dma_start3A_92 = arith.constant 0 : i32
    %dma_start3A_93 = tpu.memref_slice %arg5[%arg1, %dma_start3A_90, %dma_start3A_91, %dma_start3A_92] : memref<16x4x16x1024xf32, #tpu.memory_space<vmem_shared>> -> memref<1x4x16x1024xf32, #tpu.memory_space<vmem_shared>>
    %dma_start3A_94 = tpu.memref_squeeze %dma_start3A_93 : memref<1x4x16x1024xf32, #tpu.memory_space<vmem_shared>> -> memref<4x16x1024xf32, #tpu.memory_space<vmem_shared>>
    %dma_start3A_95 = arith.constant 0 : i32
    %dma_start3A_96 = arith.constant 0 : i32
    %dma_start3A_97 = tpu.memref_slice %dma_start3A_94[%dma_start3A_89, %dma_start3A_95, %dma_start3A_96] : memref<4x16x1024xf32, #tpu.memory_space<vmem_shared>> -> memref<1x16x1024xf32, #tpu.memory_space<vmem_shared>>
    %dma_start3A_98 = tpu.memref_squeeze %dma_start3A_97 : memref<1x16x1024xf32, #tpu.memory_space<vmem_shared>> -> memref<16x1024xf32, #tpu.memory_space<vmem_shared>>
    %dma_start3A_99 = arith.constant 0 : i32
    %dma_start3A_100 = tpu.memref_slice %arg2[%add3A_88, %dma_start3A_99] : memref<8192x1024xf32, #tpu.memory_space<hbm>> -> memref<16x1024xf32, #tpu.memory_space<hbm>>
    tpu.enqueue_dma source(%dma_start3A_100 : memref<16x1024xf32, #tpu.memory_space<hbm>>) target(%dma_start3A_98 : memref<16x1024xf32, #tpu.memory_space<vmem_shared>>) target_semaphore(%arg12 : memref<!tpu.dma_semaphore, #tpu.memory_space<semaphore_mem>>)
    %add3A_101 = arith.constant 0 : i32
    %add3A_102 = arith.addi %mul3A_2, %add3A_101 : i32
    %add3A_103 = arith.constant 48 : i32
    %add3A_104 = arith.addi %add3A_102, %add3A_103 : i32
    %dma_start3A_105 = arith.constant 3 : i32
    %dma_start3A_106 = arith.constant 0 : i32
    %dma_start3A_107 = arith.constant 0 : i32
    %dma_start3A_108 = tpu.memref_slice %arg4[%dma_start3A_105, %dma_start3A_106, %dma_start3A_107] : memref<4x16x1024xf32, #tpu.memory_space<vmem>> -> memref<1x16x1024xf32, #tpu.memory_space<vmem>>
    %dma_start3A_109 = tpu.memref_squeeze %dma_start3A_108 : memref<1x16x1024xf32, #tpu.memory_space<vmem>> -> memref<16x1024xf32, #tpu.memory_space<vmem>>
    %dma_start3A_110 = arith.constant 0 : i32
    %dma_start3A_111 = tpu.memref_slice %arg2[%add3A_104, %dma_start3A_110] : memref<8192x1024xf32, #tpu.memory_space<hbm>> -> memref<16x1024xf32, #tpu.memory_space<hbm>>
    %dma_start3A_112 = arith.constant 0 : i32
    %dma_start3A_113 = arith.constant 0 : i32
    %dma_start3A_114 = tpu.memref_slice %arg4[%dma_start3A_105, %dma_start3A_112, %dma_start3A_113] : memref<4x16x1024xf32, #tpu.memory_space<vmem>> -> memref<1x16x1024xf32, #tpu.memory_space<vmem>>
    %dma_start3A_115 = tpu.memref_squeeze %dma_start3A_114 : memref<1x16x1024xf32, #tpu.memory_space<vmem>> -> memref<16x1024xf32, #tpu.memory_space<vmem>>
    %dma_start3A_116 = arith.constant 0 : i32
    %dma_start3A_117 = tpu.memref_slice %arg2[%add3A_104, %dma_start3A_116] : memref<8192x1024xf32, #tpu.memory_space<hbm>> -> memref<16x1024xf32, #tpu.memory_space<hbm>>
    tpu.enqueue_dma source(%dma_start3A_117 : memref<16x1024xf32, #tpu.memory_space<hbm>>) target(%dma_start3A_115 : memref<16x1024xf32, #tpu.memory_space<vmem>>) target_semaphore(%arg9 : memref<!tpu.dma_semaphore, #tpu.memory_space<semaphore_mem>>)
    %add3A_118 = arith.constant 64 : i32
    %add3A_119 = arith.addi %mul3A_2, %add3A_118 : i32
    %add3A_120 = arith.constant 48 : i32
    %add3A_121 = arith.addi %add3A_119, %add3A_120 : i32
    %dma_start3A_122 = arith.constant 3 : i32
    %dma_start3A_123 = arith.constant 0 : i32
    %dma_start3A_124 = arith.constant 0 : i32
    %dma_start3A_125 = arith.constant 0 : i32
    %dma_start3A_126 = tpu.memref_slice %arg5[%arg1, %dma_start3A_123, %dma_start3A_124, %dma_start3A_125] : memref<16x4x16x1024xf32, #tpu.memory_space<vmem_shared>> -> memref<1x4x16x1024xf32, #tpu.memory_space<vmem_shared>>
    %dma_start3A_127 = tpu.memref_squeeze %dma_start3A_126 : memref<1x4x16x1024xf32, #tpu.memory_space<vmem_shared>> -> memref<4x16x1024xf32, #tpu.memory_space<vmem_shared>>
    %dma_start3A_128 = arith.constant 0 : i32
    %dma_start3A_129 = arith.constant 0 : i32
    %dma_start3A_130 = tpu.memref_slice %dma_start3A_127[%dma_start3A_122, %dma_start3A_128, %dma_start3A_129] : memref<4x16x1024xf32, #tpu.memory_space<vmem_shared>> -> memref<1x16x1024xf32, #tpu.memory_space<vmem_shared>>
    %dma_start3A_131 = tpu.memref_squeeze %dma_start3A_130 : memref<1x16x1024xf32, #tpu.memory_space<vmem_shared>> -> memref<16x1024xf32, #tpu.memory_space<vmem_shared>>
    %dma_start3A_132 = arith.constant 0 : i32
    %dma_start3A_133 = tpu.memref_slice %arg2[%add3A_121, %dma_start3A_132] : memref<8192x1024xf32, #tpu.memory_space<hbm>> -> memref<16x1024xf32, #tpu.memory_space<hbm>>
    tpu.enqueue_dma source(%dma_start3A_133 : memref<16x1024xf32, #tpu.memory_space<hbm>>) target(%dma_start3A_131 : memref<16x1024xf32, #tpu.memory_space<vmem_shared>>) target_semaphore(%arg13 : memref<!tpu.dma_semaphore, #tpu.memory_space<semaphore_mem>>)
    %dma_wait3A = arith.constant 0 : i32
    %dma_wait3A_134 = arith.constant 0 : i32
    %dma_wait3A_135 = arith.constant 0 : i32
    %dma_wait3A_136 = tpu.memref_slice %arg4[%dma_wait3A, %dma_wait3A_134, %dma_wait3A_135] : memref<4x16x1024xf32, #tpu.memory_space<vmem>> -> memref<1x16x1024xf32, #tpu.memory_space<vmem>>
    %dma_wait3A_137 = tpu.memref_squeeze %dma_wait3A_136 : memref<1x16x1024xf32, #tpu.memory_space<vmem>> -> memref<16x1024xf32, #tpu.memory_space<vmem>>
    %dma_wait3A_138 = arith.constant 0 : i32
    %dma_wait3A_139 = tpu.memref_slice %arg2[%add3A_6, %dma_wait3A_138] : memref<8192x1024xf32, #tpu.memory_space<hbm>> -> memref<16x1024xf32, #tpu.memory_space<hbm>>
    %dma_wait3A_140 = arith.constant 0 : i32
    %dma_wait3A_141 = arith.constant 0 : i32
    %dma_wait3A_142 = tpu.memref_slice %arg4[%dma_wait3A, %dma_wait3A_140, %dma_wait3A_141] : memref<4x16x1024xf32, #tpu.memory_space<vmem>> -> memref<1x16x1024xf32, #tpu.memory_space<vmem>>
    %dma_wait3A_143 = tpu.memref_squeeze %dma_wait3A_142 : memref<1x16x1024xf32, #tpu.memory_space<vmem>> -> memref<16x1024xf32, #tpu.memory_space<vmem>>
    %dma_wait3A_144 = arith.constant 0 : i32
    %dma_wait3A_145 = tpu.memref_slice %arg2[%add3A_6, %dma_wait3A_144] : memref<8192x1024xf32, #tpu.memory_space<hbm>> -> memref<16x1024xf32, #tpu.memory_space<hbm>>
    tpu.wait_dma2 semaphore(%arg6 : memref<!tpu.dma_semaphore, #tpu.memory_space<semaphore_mem>>) src(%dma_wait3A_145 : memref<16x1024xf32, #tpu.memory_space<hbm>>) dst(%dma_wait3A_143 : memref<16x1024xf32, #tpu.memory_space<vmem>>)
    %add3A_146 = arith.constant 0 : i32
    %add3A_147 = arith.addi %mul3A_2, %add3A_146 : i32
    %add3A_148 = arith.constant 0 : i32
    %add3A_149 = arith.addi %add3A_147, %add3A_148 : i32
    %dma_start3A_150 = arith.constant 0 : i32
    %dma_start3A_151 = arith.constant 0 : i32
    %dma_start3A_152 = arith.constant 0 : i32
    %dma_start3A_153 = tpu.memref_slice %arg4[%dma_start3A_150, %dma_start3A_151, %dma_start3A_152] : memref<4x16x1024xf32, #tpu.memory_space<vmem>> -> memref<1x16x1024xf32, #tpu.memory_space<vmem>>
    %dma_start3A_154 = tpu.memref_squeeze %dma_start3A_153 : memref<1x16x1024xf32, #tpu.memory_space<vmem>> -> memref<16x1024xf32, #tpu.memory_space<vmem>>
    %dma_start3A_155 = arith.constant 0 : i32
    %dma_start3A_156 = tpu.memref_slice %arg3[%add3A_149, %dma_start3A_155] : memref<4096x1024xf32, #tpu.memory_space<hbm>> -> memref<16x1024xf32, #tpu.memory_space<hbm>>
    %dma_start3A_157 = arith.constant 0 : i32
    %dma_start3A_158 = tpu.memref_slice %arg3[%add3A_149, %dma_start3A_157] : memref<4096x1024xf32, #tpu.memory_space<hbm>> -> memref<16x1024xf32, #tpu.memory_space<hbm>>
    %dma_start3A_159 = arith.constant 0 : i32
    %dma_start3A_160 = arith.constant 0 : i32
    %dma_start3A_161 = tpu.memref_slice %arg4[%dma_start3A_150, %dma_start3A_159, %dma_start3A_160] : memref<4x16x1024xf32, #tpu.memory_space<vmem>> -> memref<1x16x1024xf32, #tpu.memory_space<vmem>>
    %dma_start3A_162 = tpu.memref_squeeze %dma_start3A_161 : memref<1x16x1024xf32, #tpu.memory_space<vmem>> -> memref<16x1024xf32, #tpu.memory_space<vmem>>
    tpu.enqueue_dma source(%dma_start3A_162 : memref<16x1024xf32, #tpu.memory_space<vmem>>) target(%dma_start3A_158 : memref<16x1024xf32, #tpu.memory_space<hbm>>) target_semaphore(%arg14 : memref<!tpu.dma_semaphore, #tpu.memory_space<semaphore_mem>>)
    %dma_wait3A_163 = arith.constant 0 : i32
    %dma_wait3A_164 = arith.constant 0 : i32
    %dma_wait3A_165 = arith.constant 0 : i32
    %dma_wait3A_166 = arith.constant 0 : i32
    %dma_wait3A_167 = tpu.memref_slice %arg5[%arg1, %dma_wait3A_164, %dma_wait3A_165, %dma_wait3A_166] : memref<16x4x16x1024xf32, #tpu.memory_space<vmem_shared>> -> memref<1x4x16x1024xf32, #tpu.memory_space<vmem_shared>>
    %dma_wait3A_168 = tpu.memref_squeeze %dma_wait3A_167 : memref<1x4x16x1024xf32, #tpu.memory_space<vmem_shared>> -> memref<4x16x1024xf32, #tpu.memory_space<vmem_shared>>
    %dma_wait3A_169 = arith.constant 0 : i32
    %dma_wait3A_170 = arith.constant 0 : i32
    %dma_wait3A_171 = tpu.memref_slice %dma_wait3A_168[%dma_wait3A_163, %dma_wait3A_169, %dma_wait3A_170] : memref<4x16x1024xf32, #tpu.memory_space<vmem_shared>> -> memref<1x16x1024xf32, #tpu.memory_space<vmem_shared>>
    %dma_wait3A_172 = tpu.memref_squeeze %dma_wait3A_171 : memref<1x16x1024xf32, #tpu.memory_space<vmem_shared>> -> memref<16x1024xf32, #tpu.memory_space<vmem_shared>>
    %dma_wait3A_173 = arith.constant 0 : i32
    %dma_wait3A_174 = tpu.memref_slice %arg2[%add3A_22, %dma_wait3A_173] : memref<8192x1024xf32, #tpu.memory_space<hbm>> -> memref<16x1024xf32, #tpu.memory_space<hbm>>
    tpu.wait_dma2 semaphore(%arg10 : memref<!tpu.dma_semaphore, #tpu.memory_space<semaphore_mem>>) src(%dma_wait3A_174 : memref<16x1024xf32, #tpu.memory_space<hbm>>) dst(%dma_wait3A_172 : memref<16x1024xf32, #tpu.memory_space<vmem_shared>>)
    %add3A_175 = arith.constant 64 : i32
    %add3A_176 = arith.addi %mul3A_2, %add3A_175 : i32
    %add3A_177 = arith.constant 0 : i32
    %add3A_178 = arith.addi %add3A_176, %add3A_177 : i32
    %dma_start3A_179 = arith.constant 0 : i32
    %dma_start3A_180 = arith.constant 0 : i32
    %dma_start3A_181 = tpu.memref_slice %arg3[%add3A_178, %dma_start3A_180] : memref<4096x1024xf32, #tpu.memory_space<hbm>> -> memref<16x1024xf32, #tpu.memory_space<hbm>>
    %dma_start3A_182 = arith.constant 0 : i32
    %dma_start3A_183 = arith.constant 0 : i32
    %dma_start3A_184 = arith.constant 0 : i32
    %dma_start3A_185 = tpu.memref_slice %arg5[%arg1, %dma_start3A_182, %dma_start3A_183, %dma_start3A_184] : memref<16x4x16x1024xf32, #tpu.memory_space<vmem_shared>> -> memref<1x4x16x1024xf32, #tpu.memory_space<vmem_shared>>
    %dma_start3A_186 = tpu.memref_squeeze %dma_start3A_185 : memref<1x4x16x1024xf32, #tpu.memory_space<vmem_shared>> -> memref<4x16x1024xf32, #tpu.memory_space<vmem_shared>>
    %dma_start3A_187 = arith.constant 0 : i32
    %dma_start3A_188 = arith.constant 0 : i32
    %dma_start3A_189 = tpu.memref_slice %dma_start3A_186[%dma_start3A_179, %dma_start3A_187, %dma_start3A_188] : memref<4x16x1024xf32, #tpu.memory_space<vmem_shared>> -> memref<1x16x1024xf32, #tpu.memory_space<vmem_shared>>
    %dma_start3A_190 = tpu.memref_squeeze %dma_start3A_189 : memref<1x16x1024xf32, #tpu.memory_space<vmem_shared>> -> memref<16x1024xf32, #tpu.memory_space<vmem_shared>>
    tpu.enqueue_dma source(%dma_start3A_190 : memref<16x1024xf32, #tpu.memory_space<vmem_shared>>) target(%dma_start3A_181 : memref<16x1024xf32, #tpu.memory_space<hbm>>) target_semaphore(%arg18 : memref<!tpu.dma_semaphore, #tpu.memory_space<semaphore_mem>>)
    %dma_wait3A_191 = arith.constant 1 : i32
    %dma_wait3A_192 = arith.constant 0 : i32
    %dma_wait3A_193 = arith.constant 0 : i32
    %dma_wait3A_194 = tpu.memref_slice %arg4[%dma_wait3A_191, %dma_wait3A_192, %dma_wait3A_193] : memref<4x16x1024xf32, #tpu.memory_space<vmem>> -> memref<1x16x1024xf32, #tpu.memory_space<vmem>>
    %dma_wait3A_195 = tpu.memref_squeeze %dma_wait3A_194 : memref<1x16x1024xf32, #tpu.memory_space<vmem>> -> memref<16x1024xf32, #tpu.memory_space<vmem>>
    %dma_wait3A_196 = arith.constant 0 : i32
    %dma_wait3A_197 = tpu.memref_slice %arg2[%add3A_38, %dma_wait3A_196] : memref<8192x1024xf32, #tpu.memory_space<hbm>> -> memref<16x1024xf32, #tpu.memory_space<hbm>>
    %dma_wait3A_198 = arith.constant 0 : i32
    %dma_wait3A_199 = arith.constant 0 : i32
    %dma_wait3A_200 = tpu.memref_slice %arg4[%dma_wait3A_191, %dma_wait3A_198, %dma_wait3A_199] : memref<4x16x1024xf32, #tpu.memory_space<vmem>> -> memref<1x16x1024xf32, #tpu.memory_space<vmem>>
    %dma_wait3A_201 = tpu.memref_squeeze %dma_wait3A_200 : memref<1x16x1024xf32, #tpu.memory_space<vmem>> -> memref<16x1024xf32, #tpu.memory_space<vmem>>
    %dma_wait3A_202 = arith.constant 0 : i32
    %dma_wait3A_203 = tpu.memref_slice %arg2[%add3A_38, %dma_wait3A_202] : memref<8192x1024xf32, #tpu.memory_space<hbm>> -> memref<16x1024xf32, #tpu.memory_space<hbm>>
    tpu.wait_dma2 semaphore(%arg7 : memref<!tpu.dma_semaphore, #tpu.memory_space<semaphore_mem>>) src(%dma_wait3A_203 : memref<16x1024xf32, #tpu.memory_space<hbm>>) dst(%dma_wait3A_201 : memref<16x1024xf32, #tpu.memory_space<vmem>>)
    %add3A_204 = arith.constant 0 : i32
    %add3A_205 = arith.addi %mul3A_2, %add3A_204 : i32
    %add3A_206 = arith.constant 16 : i32
    %add3A_207 = arith.addi %add3A_205, %add3A_206 : i32
    %dma_start3A_208 = arith.constant 1 : i32
    %dma_start3A_209 = arith.constant 0 : i32
    %dma_start3A_210 = arith.constant 0 : i32
    %dma_start3A_211 = tpu.memref_slice %arg4[%dma_start3A_208, %dma_start3A_209, %dma_start3A_210] : memref<4x16x1024xf32, #tpu.memory_space<vmem>> -> memref<1x16x1024xf32, #tpu.memory_space<vmem>>
    %dma_start3A_212 = tpu.memref_squeeze %dma_start3A_211 : memref<1x16x1024xf32, #tpu.memory_space<vmem>> -> memref<16x1024xf32, #tpu.memory_space<vmem>>
    %dma_start3A_213 = arith.constant 0 : i32
    %dma_start3A_214 = tpu.memref_slice %arg3[%add3A_207, %dma_start3A_213] : memref<4096x1024xf32, #tpu.memory_space<hbm>> -> memref<16x1024xf32, #tpu.memory_space<hbm>>
    %dma_start3A_215 = arith.constant 0 : i32
    %dma_start3A_216 = tpu.memref_slice %arg3[%add3A_207, %dma_start3A_215] : memref<4096x1024xf32, #tpu.memory_space<hbm>> -> memref<16x1024xf32, #tpu.memory_space<hbm>>
    %dma_start3A_217 = arith.constant 0 : i32
    %dma_start3A_218 = arith.constant 0 : i32
    %dma_start3A_219 = tpu.memref_slice %arg4[%dma_start3A_208, %dma_start3A_217, %dma_start3A_218] : memref<4x16x1024xf32, #tpu.memory_space<vmem>> -> memref<1x16x1024xf32, #tpu.memory_space<vmem>>
    %dma_start3A_220 = tpu.memref_squeeze %dma_start3A_219 : memref<1x16x1024xf32, #tpu.memory_space<vmem>> -> memref<16x1024xf32, #tpu.memory_space<vmem>>
    tpu.enqueue_dma source(%dma_start3A_220 : memref<16x1024xf32, #tpu.memory_space<vmem>>) target(%dma_start3A_216 : memref<16x1024xf32, #tpu.memory_space<hbm>>) target_semaphore(%arg15 : memref<!tpu.dma_semaphore, #tpu.memory_space<semaphore_mem>>)
    %dma_wait3A_221 = arith.constant 1 : i32
    %dma_wait3A_222 = arith.constant 0 : i32
    %dma_wait3A_223 = arith.constant 0 : i32
    %dma_wait3A_224 = arith.constant 0 : i32
    %dma_wait3A_225 = tpu.memref_slice %arg5[%arg1, %dma_wait3A_222, %dma_wait3A_223, %dma_wait3A_224] : memref<16x4x16x1024xf32, #tpu.memory_space<vmem_shared>> -> memref<1x4x16x1024xf32, #tpu.memory_space<vmem_shared>>
    %dma_wait3A_226 = tpu.memref_squeeze %dma_wait3A_225 : memref<1x4x16x1024xf32, #tpu.memory_space<vmem_shared>> -> memref<4x16x1024xf32, #tpu.memory_space<vmem_shared>>
    %dma_wait3A_227 = arith.constant 0 : i32
    %dma_wait3A_228 = arith.constant 0 : i32
    %dma_wait3A_229 = tpu.memref_slice %dma_wait3A_226[%dma_wait3A_221, %dma_wait3A_227, %dma_wait3A_228] : memref<4x16x1024xf32, #tpu.memory_space<vmem_shared>> -> memref<1x16x1024xf32, #tpu.memory_space<vmem_shared>>
    %dma_wait3A_230 = tpu.memref_squeeze %dma_wait3A_229 : memref<1x16x1024xf32, #tpu.memory_space<vmem_shared>> -> memref<16x1024xf32, #tpu.memory_space<vmem_shared>>
    %dma_wait3A_231 = arith.constant 0 : i32
    %dma_wait3A_232 = tpu.memref_slice %arg2[%add3A_55, %dma_wait3A_231] : memref<8192x1024xf32, #tpu.memory_space<hbm>> -> memref<16x1024xf32, #tpu.memory_space<hbm>>
    tpu.wait_dma2 semaphore(%arg11 : memref<!tpu.dma_semaphore, #tpu.memory_space<semaphore_mem>>) src(%dma_wait3A_232 : memref<16x1024xf32, #tpu.memory_space<hbm>>) dst(%dma_wait3A_230 : memref<16x1024xf32, #tpu.memory_space<vmem_shared>>)
    %add3A_233 = arith.constant 64 : i32
    %add3A_234 = arith.addi %mul3A_2, %add3A_233 : i32
    %add3A_235 = arith.constant 16 : i32
    %add3A_236 = arith.addi %add3A_234, %add3A_235 : i32
    %dma_start3A_237 = arith.constant 1 : i32
    %dma_start3A_238 = arith.constant 0 : i32
    %dma_start3A_239 = tpu.memref_slice %arg3[%add3A_236, %dma_start3A_238] : memref<4096x1024xf32, #tpu.memory_space<hbm>> -> memref<16x1024xf32, #tpu.memory_space<hbm>>
    %dma_start3A_240 = arith.constant 0 : i32
    %dma_start3A_241 = arith.constant 0 : i32
    %dma_start3A_242 = arith.constant 0 : i32
    %dma_start3A_243 = tpu.memref_slice %arg5[%arg1, %dma_start3A_240, %dma_start3A_241, %dma_start3A_242] : memref<16x4x16x1024xf32, #tpu.memory_space<vmem_shared>> -> memref<1x4x16x1024xf32, #tpu.memory_space<vmem_shared>>
    %dma_start3A_244 = tpu.memref_squeeze %dma_start3A_243 : memref<1x4x16x1024xf32, #tpu.memory_space<vmem_shared>> -> memref<4x16x1024xf32, #tpu.memory_space<vmem_shared>>
    %dma_start3A_245 = arith.constant 0 : i32
    %dma_start3A_246 = arith.constant 0 : i32
    %dma_start3A_247 = tpu.memref_slice %dma_start3A_244[%dma_start3A_237, %dma_start3A_245, %dma_start3A_246] : memref<4x16x1024xf32, #tpu.memory_space<vmem_shared>> -> memref<1x16x1024xf32, #tpu.memory_space<vmem_shared>>
    %dma_start3A_248 = tpu.memref_squeeze %dma_start3A_247 : memref<1x16x1024xf32, #tpu.memory_space<vmem_shared>> -> memref<16x1024xf32, #tpu.memory_space<vmem_shared>>
    tpu.enqueue_dma source(%dma_start3A_248 : memref<16x1024xf32, #tpu.memory_space<vmem_shared>>) target(%dma_start3A_239 : memref<16x1024xf32, #tpu.memory_space<hbm>>) target_semaphore(%arg19 : memref<!tpu.dma_semaphore, #tpu.memory_space<semaphore_mem>>)
    %dma_wait3A_249 = arith.constant 2 : i32
    %dma_wait3A_250 = arith.constant 0 : i32
    %dma_wait3A_251 = arith.constant 0 : i32
    %dma_wait3A_252 = tpu.memref_slice %arg4[%dma_wait3A_249, %dma_wait3A_250, %dma_wait3A_251] : memref<4x16x1024xf32, #tpu.memory_space<vmem>> -> memref<1x16x1024xf32, #tpu.memory_space<vmem>>
    %dma_wait3A_253 = tpu.memref_squeeze %dma_wait3A_252 : memref<1x16x1024xf32, #tpu.memory_space<vmem>> -> memref<16x1024xf32, #tpu.memory_space<vmem>>
    %dma_wait3A_254 = arith.constant 0 : i32
    %dma_wait3A_255 = tpu.memref_slice %arg2[%add3A_71, %dma_wait3A_254] : memref<8192x1024xf32, #tpu.memory_space<hbm>> -> memref<16x1024xf32, #tpu.memory_space<hbm>>
    %dma_wait3A_256 = arith.constant 0 : i32
    %dma_wait3A_257 = arith.constant 0 : i32
    %dma_wait3A_258 = tpu.memref_slice %arg4[%dma_wait3A_249, %dma_wait3A_256, %dma_wait3A_257] : memref<4x16x1024xf32, #tpu.memory_space<vmem>> -> memref<1x16x1024xf32, #tpu.memory_space<vmem>>
    %dma_wait3A_259 = tpu.memref_squeeze %dma_wait3A_258 : memref<1x16x1024xf32, #tpu.memory_space<vmem>> -> memref<16x1024xf32, #tpu.memory_space<vmem>>
    %dma_wait3A_260 = arith.constant 0 : i32
    %dma_wait3A_261 = tpu.memref_slice %arg2[%add3A_71, %dma_wait3A_260] : memref<8192x1024xf32, #tpu.memory_space<hbm>> -> memref<16x1024xf32, #tpu.memory_space<hbm>>
    tpu.wait_dma2 semaphore(%arg8 : memref<!tpu.dma_semaphore, #tpu.memory_space<semaphore_mem>>) src(%dma_wait3A_261 : memref<16x1024xf32, #tpu.memory_space<hbm>>) dst(%dma_wait3A_259 : memref<16x1024xf32, #tpu.memory_space<vmem>>)
    %add3A_262 = arith.constant 0 : i32
    %add3A_263 = arith.addi %mul3A_2, %add3A_262 : i32
    %add3A_264 = arith.constant 32 : i32
    %add3A_265 = arith.addi %add3A_263, %add3A_264 : i32
    %dma_start3A_266 = arith.constant 2 : i32
    %dma_start3A_267 = arith.constant 0 : i32
    %dma_start3A_268 = arith.constant 0 : i32
    %dma_start3A_269 = tpu.memref_slice %arg4[%dma_start3A_266, %dma_start3A_267, %dma_start3A_268] : memref<4x16x1024xf32, #tpu.memory_space<vmem>> -> memref<1x16x1024xf32, #tpu.memory_space<vmem>>
    %dma_start3A_270 = tpu.memref_squeeze %dma_start3A_269 : memref<1x16x1024xf32, #tpu.memory_space<vmem>> -> memref<16x1024xf32, #tpu.memory_space<vmem>>
    %dma_start3A_271 = arith.constant 0 : i32
    %dma_start3A_272 = tpu.memref_slice %arg3[%add3A_265, %dma_start3A_271] : memref<4096x1024xf32, #tpu.memory_space<hbm>> -> memref<16x1024xf32, #tpu.memory_space<hbm>>
    %dma_start3A_273 = arith.constant 0 : i32
    %dma_start3A_274 = tpu.memref_slice %arg3[%add3A_265, %dma_start3A_273] : memref<4096x1024xf32, #tpu.memory_space<hbm>> -> memref<16x1024xf32, #tpu.memory_space<hbm>>
    %dma_start3A_275 = arith.constant 0 : i32
    %dma_start3A_276 = arith.constant 0 : i32
    %dma_start3A_277 = tpu.memref_slice %arg4[%dma_start3A_266, %dma_start3A_275, %dma_start3A_276] : memref<4x16x1024xf32, #tpu.memory_space<vmem>> -> memref<1x16x1024xf32, #tpu.memory_space<vmem>>
    %dma_start3A_278 = tpu.memref_squeeze %dma_start3A_277 : memref<1x16x1024xf32, #tpu.memory_space<vmem>> -> memref<16x1024xf32, #tpu.memory_space<vmem>>
    tpu.enqueue_dma source(%dma_start3A_278 : memref<16x1024xf32, #tpu.memory_space<vmem>>) target(%dma_start3A_274 : memref<16x1024xf32, #tpu.memory_space<hbm>>) target_semaphore(%arg16 : memref<!tpu.dma_semaphore, #tpu.memory_space<semaphore_mem>>)
    %dma_wait3A_279 = arith.constant 2 : i32
    %dma_wait3A_280 = arith.constant 0 : i32
    %dma_wait3A_281 = arith.constant 0 : i32
    %dma_wait3A_282 = arith.constant 0 : i32
    %dma_wait3A_283 = tpu.memref_slice %arg5[%arg1, %dma_wait3A_280, %dma_wait3A_281, %dma_wait3A_282] : memref<16x4x16x1024xf32, #tpu.memory_space<vmem_shared>> -> memref<1x4x16x1024xf32, #tpu.memory_space<vmem_shared>>
    %dma_wait3A_284 = tpu.memref_squeeze %dma_wait3A_283 : memref<1x4x16x1024xf32, #tpu.memory_space<vmem_shared>> -> memref<4x16x1024xf32, #tpu.memory_space<vmem_shared>>
    %dma_wait3A_285 = arith.constant 0 : i32
    %dma_wait3A_286 = arith.constant 0 : i32
    %dma_wait3A_287 = tpu.memref_slice %dma_wait3A_284[%dma_wait3A_279, %dma_wait3A_285, %dma_wait3A_286] : memref<4x16x1024xf32, #tpu.memory_space<vmem_shared>> -> memref<1x16x1024xf32, #tpu.memory_space<vmem_shared>>
    %dma_wait3A_288 = tpu.memref_squeeze %dma_wait3A_287 : memref<1x16x1024xf32, #tpu.memory_space<vmem_shared>> -> memref<16x1024xf32, #tpu.memory_space<vmem_shared>>
    %dma_wait3A_289 = arith.constant 0 : i32
    %dma_wait3A_290 = tpu.memref_slice %arg2[%add3A_88, %dma_wait3A_289] : memref<8192x1024xf32, #tpu.memory_space<hbm>> -> memref<16x1024xf32, #tpu.memory_space<hbm>>
    tpu.wait_dma2 semaphore(%arg12 : memref<!tpu.dma_semaphore, #tpu.memory_space<semaphore_mem>>) src(%dma_wait3A_290 : memref<16x1024xf32, #tpu.memory_space<hbm>>) dst(%dma_wait3A_288 : memref<16x1024xf32, #tpu.memory_space<vmem_shared>>)
    %add3A_291 = arith.constant 64 : i32
    %add3A_292 = arith.addi %mul3A_2, %add3A_291 : i32
    %add3A_293 = arith.constant 32 : i32
    %add3A_294 = arith.addi %add3A_292, %add3A_293 : i32
    %dma_start3A_295 = arith.constant 2 : i32
    %dma_start3A_296 = arith.constant 0 : i32
    %dma_start3A_297 = tpu.memref_slice %arg3[%add3A_294, %dma_start3A_296] : memref<4096x1024xf32, #tpu.memory_space<hbm>> -> memref<16x1024xf32, #tpu.memory_space<hbm>>
    %dma_start3A_298 = arith.constant 0 : i32
    %dma_start3A_299 = arith.constant 0 : i32
    %dma_start3A_300 = arith.constant 0 : i32
    %dma_start3A_301 = tpu.memref_slice %arg5[%arg1, %dma_start3A_298, %dma_start3A_299, %dma_start3A_300] : memref<16x4x16x1024xf32, #tpu.memory_space<vmem_shared>> -> memref<1x4x16x1024xf32, #tpu.memory_space<vmem_shared>>
    %dma_start3A_302 = tpu.memref_squeeze %dma_start3A_301 : memref<1x4x16x1024xf32, #tpu.memory_space<vmem_shared>> -> memref<4x16x1024xf32, #tpu.memory_space<vmem_shared>>
    %dma_start3A_303 = arith.constant 0 : i32
    %dma_start3A_304 = arith.constant 0 : i32
    %dma_start3A_305 = tpu.memref_slice %dma_start3A_302[%dma_start3A_295, %dma_start3A_303, %dma_start3A_304] : memref<4x16x1024xf32, #tpu.memory_space<vmem_shared>> -> memref<1x16x1024xf32, #tpu.memory_space<vmem_shared>>
    %dma_start3A_306 = tpu.memref_squeeze %dma_start3A_305 : memref<1x16x1024xf32, #tpu.memory_space<vmem_shared>> -> memref<16x1024xf32, #tpu.memory_space<vmem_shared>>
    tpu.enqueue_dma source(%dma_start3A_306 : memref<16x1024xf32, #tpu.memory_space<vmem_shared>>) target(%dma_start3A_297 : memref<16x1024xf32, #tpu.memory_space<hbm>>) target_semaphore(%arg20 : memref<!tpu.dma_semaphore, #tpu.memory_space<semaphore_mem>>)
    %dma_wait3A_307 = arith.constant 3 : i32
    %dma_wait3A_308 = arith.constant 0 : i32
    %dma_wait3A_309 = arith.constant 0 : i32
    %dma_wait3A_310 = tpu.memref_slice %arg4[%dma_wait3A_307, %dma_wait3A_308, %dma_wait3A_309] : memref<4x16x1024xf32, #tpu.memory_space<vmem>> -> memref<1x16x1024xf32, #tpu.memory_space<vmem>>
    %dma_wait3A_311 = tpu.memref_squeeze %dma_wait3A_310 : memref<1x16x1024xf32, #tpu.memory_space<vmem>> -> memref<16x1024xf32, #tpu.memory_space<vmem>>
    %dma_wait3A_312 = arith.constant 0 : i32
    %dma_wait3A_313 = tpu.memref_slice %arg2[%add3A_104, %dma_wait3A_312] : memref<8192x1024xf32, #tpu.memory_space<hbm>> -> memref<16x1024xf32, #tpu.memory_space<hbm>>
    %dma_wait3A_314 = arith.constant 0 : i32
    %dma_wait3A_315 = arith.constant 0 : i32
    %dma_wait3A_316 = tpu.memref_slice %arg4[%dma_wait3A_307, %dma_wait3A_314, %dma_wait3A_315] : memref<4x16x1024xf32, #tpu.memory_space<vmem>> -> memref<1x16x1024xf32, #tpu.memory_space<vmem>>
    %dma_wait3A_317 = tpu.memref_squeeze %dma_wait3A_316 : memref<1x16x1024xf32, #tpu.memory_space<vmem>> -> memref<16x1024xf32, #tpu.memory_space<vmem>>
    %dma_wait3A_318 = arith.constant 0 : i32
    %dma_wait3A_319 = tpu.memref_slice %arg2[%add3A_104, %dma_wait3A_318] : memref<8192x1024xf32, #tpu.memory_space<hbm>> -> memref<16x1024xf32, #tpu.memory_space<hbm>>
    tpu.wait_dma2 semaphore(%arg9 : memref<!tpu.dma_semaphore, #tpu.memory_space<semaphore_mem>>) src(%dma_wait3A_319 : memref<16x1024xf32, #tpu.memory_space<hbm>>) dst(%dma_wait3A_317 : memref<16x1024xf32, #tpu.memory_space<vmem>>)
    %add3A_320 = arith.constant 0 : i32
    %add3A_321 = arith.addi %mul3A_2, %add3A_320 : i32
    %add3A_322 = arith.constant 48 : i32
    %add3A_323 = arith.addi %add3A_321, %add3A_322 : i32
    %dma_start3A_324 = arith.constant 3 : i32
    %dma_start3A_325 = arith.constant 0 : i32
    %dma_start3A_326 = arith.constant 0 : i32
    %dma_start3A_327 = tpu.memref_slice %arg4[%dma_start3A_324, %dma_start3A_325, %dma_start3A_326] : memref<4x16x1024xf32, #tpu.memory_space<vmem>> -> memref<1x16x1024xf32, #tpu.memory_space<vmem>>
    %dma_start3A_328 = tpu.memref_squeeze %dma_start3A_327 : memref<1x16x1024xf32, #tpu.memory_space<vmem>> -> memref<16x1024xf32, #tpu.memory_space<vmem>>
    %dma_start3A_329 = arith.constant 0 : i32
    %dma_start3A_330 = tpu.memref_slice %arg3[%add3A_323, %dma_start3A_329] : memref<4096x1024xf32, #tpu.memory_space<hbm>> -> memref<16x1024xf32, #tpu.memory_space<hbm>>
    %dma_start3A_331 = arith.constant 0 : i32
    %dma_start3A_332 = tpu.memref_slice %arg3[%add3A_323, %dma_start3A_331] : memref<4096x1024xf32, #tpu.memory_space<hbm>> -> memref<16x1024xf32, #tpu.memory_space<hbm>>
    %dma_start3A_333 = arith.constant 0 : i32
    %dma_start3A_334 = arith.constant 0 : i32
    %dma_start3A_335 = tpu.memref_slice %arg4[%dma_start3A_324, %dma_start3A_333, %dma_start3A_334] : memref<4x16x1024xf32, #tpu.memory_space<vmem>> -> memref<1x16x1024xf32, #tpu.memory_space<vmem>>
    %dma_start3A_336 = tpu.memref_squeeze %dma_start3A_335 : memref<1x16x1024xf32, #tpu.memory_space<vmem>> -> memref<16x1024xf32, #tpu.memory_space<vmem>>
    tpu.enqueue_dma source(%dma_start3A_336 : memref<16x1024xf32, #tpu.memory_space<vmem>>) target(%dma_start3A_332 : memref<16x1024xf32, #tpu.memory_space<hbm>>) target_semaphore(%arg17 : memref<!tpu.dma_semaphore, #tpu.memory_space<semaphore_mem>>)
    %dma_wait3A_337 = arith.constant 3 : i32
    %dma_wait3A_338 = arith.constant 0 : i32
    %dma_wait3A_339 = arith.constant 0 : i32
    %dma_wait3A_340 = arith.constant 0 : i32
    %dma_wait3A_341 = tpu.memref_slice %arg5[%arg1, %dma_wait3A_338, %dma_wait3A_339, %dma_wait3A_340] : memref<16x4x16x1024xf32, #tpu.memory_space<vmem_shared>> -> memref<1x4x16x1024xf32, #tpu.memory_space<vmem_shared>>
    %dma_wait3A_342 = tpu.memref_squeeze %dma_wait3A_341 : memref<1x4x16x1024xf32, #tpu.memory_space<vmem_shared>> -> memref<4x16x1024xf32, #tpu.memory_space<vmem_shared>>
    %dma_wait3A_343 = arith.constant 0 : i32
    %dma_wait3A_344 = arith.constant 0 : i32
    %dma_wait3A_345 = tpu.memref_slice %dma_wait3A_342[%dma_wait3A_337, %dma_wait3A_343, %dma_wait3A_344] : memref<4x16x1024xf32, #tpu.memory_space<vmem_shared>> -> memref<1x16x1024xf32, #tpu.memory_space<vmem_shared>>
    %dma_wait3A_346 = tpu.memref_squeeze %dma_wait3A_345 : memref<1x16x1024xf32, #tpu.memory_space<vmem_shared>> -> memref<16x1024xf32, #tpu.memory_space<vmem_shared>>
    %dma_wait3A_347 = arith.constant 0 : i32
    %dma_wait3A_348 = tpu.memref_slice %arg2[%add3A_121, %dma_wait3A_347] : memref<8192x1024xf32, #tpu.memory_space<hbm>> -> memref<16x1024xf32, #tpu.memory_space<hbm>>
    tpu.wait_dma2 semaphore(%arg13 : memref<!tpu.dma_semaphore, #tpu.memory_space<semaphore_mem>>) src(%dma_wait3A_348 : memref<16x1024xf32, #tpu.memory_space<hbm>>) dst(%dma_wait3A_346 : memref<16x1024xf32, #tpu.memory_space<vmem_shared>>)
    %add3A_349 = arith.constant 64 : i32
    %add3A_350 = arith.addi %mul3A_2, %add3A_349 : i32
    %add3A_351 = arith.constant 48 : i32
    %add3A_352 = arith.addi %add3A_350, %add3A_351 : i32
    %dma_start3A_353 = arith.constant 3 : i32
    %dma_start3A_354 = arith.constant 0 : i32
    %dma_start3A_355 = tpu.memref_slice %arg3[%add3A_352, %dma_start3A_354] : memref<4096x1024xf32, #tpu.memory_space<hbm>> -> memref<16x1024xf32, #tpu.memory_space<hbm>>
    %dma_start3A_356 = arith.constant 0 : i32
    %dma_start3A_357 = arith.constant 0 : i32
    %dma_start3A_358 = arith.constant 0 : i32
    %dma_start3A_359 = tpu.memref_slice %arg5[%arg1, %dma_start3A_356, %dma_start3A_357, %dma_start3A_358] : memref<16x4x16x1024xf32, #tpu.memory_space<vmem_shared>> -> memref<1x4x16x1024xf32, #tpu.memory_space<vmem_shared>>
    %dma_start3A_360 = tpu.memref_squeeze %dma_start3A_359 : memref<1x4x16x1024xf32, #tpu.memory_space<vmem_shared>> -> memref<4x16x1024xf32, #tpu.memory_space<vmem_shared>>
    %dma_start3A_361 = arith.constant 0 : i32
    %dma_start3A_362 = arith.constant 0 : i32
    %dma_start3A_363 = tpu.memref_slice %dma_start3A_360[%dma_start3A_353, %dma_start3A_361, %dma_start3A_362] : memref<4x16x1024xf32, #tpu.memory_space<vmem_shared>> -> memref<1x16x1024xf32, #tpu.memory_space<vmem_shared>>
    %dma_start3A_364 = tpu.memref_squeeze %dma_start3A_363 : memref<1x16x1024xf32, #tpu.memory_space<vmem_shared>> -> memref<16x1024xf32, #tpu.memory_space<vmem_shared>>
    tpu.enqueue_dma source(%dma_start3A_364 : memref<16x1024xf32, #tpu.memory_space<vmem_shared>>) target(%dma_start3A_355 : memref<16x1024xf32, #tpu.memory_space<hbm>>) target_semaphore(%arg21 : memref<!tpu.dma_semaphore, #tpu.memory_space<semaphore_mem>>)
    %dma_wait3A_365 = arith.constant 0 : i32
    %dma_wait3A_366 = arith.constant 0 : i32
    %dma_wait3A_367 = arith.constant 0 : i32
    %dma_wait3A_368 = tpu.memref_slice %arg4[%dma_wait3A_365, %dma_wait3A_366, %dma_wait3A_367] : memref<4x16x1024xf32, #tpu.memory_space<vmem>> -> memref<1x16x1024xf32, #tpu.memory_space<vmem>>
    %dma_wait3A_369 = tpu.memref_squeeze %dma_wait3A_368 : memref<1x16x1024xf32, #tpu.memory_space<vmem>> -> memref<16x1024xf32, #tpu.memory_space<vmem>>
    %dma_wait3A_370 = arith.constant 0 : i32
    %dma_wait3A_371 = tpu.memref_slice %arg3[%add3A_149, %dma_wait3A_370] : memref<4096x1024xf32, #tpu.memory_space<hbm>> -> memref<16x1024xf32, #tpu.memory_space<hbm>>
    %dma_wait3A_372 = arith.constant 0 : i32
    %dma_wait3A_373 = tpu.memref_slice %arg3[%add3A_149, %dma_wait3A_372] : memref<4096x1024xf32, #tpu.memory_space<hbm>> -> memref<16x1024xf32, #tpu.memory_space<hbm>>
    %dma_wait3A_374 = arith.constant 0 : i32
    %dma_wait3A_375 = arith.constant 0 : i32
    %dma_wait3A_376 = tpu.memref_slice %arg4[%dma_wait3A_365, %dma_wait3A_374, %dma_wait3A_375] : memref<4x16x1024xf32, #tpu.memory_space<vmem>> -> memref<1x16x1024xf32, #tpu.memory_space<vmem>>
    %dma_wait3A_377 = tpu.memref_squeeze %dma_wait3A_376 : memref<1x16x1024xf32, #tpu.memory_space<vmem>> -> memref<16x1024xf32, #tpu.memory_space<vmem>>
    tpu.wait_dma2 semaphore(%arg14 : memref<!tpu.dma_semaphore, #tpu.memory_space<semaphore_mem>>) src(%dma_wait3A_377 : memref<16x1024xf32, #tpu.memory_space<vmem>>) dst(%dma_wait3A_373 : memref<16x1024xf32, #tpu.memory_space<hbm>>)
    %dma_wait3A_378 = arith.constant 0 : i32
    %dma_wait3A_379 = arith.constant 0 : i32
    %dma_wait3A_380 = tpu.memref_slice %arg3[%add3A_178, %dma_wait3A_379] : memref<4096x1024xf32, #tpu.memory_space<hbm>> -> memref<16x1024xf32, #tpu.memory_space<hbm>>
    %dma_wait3A_381 = arith.constant 0 : i32
    %dma_wait3A_382 = arith.constant 0 : i32
    %dma_wait3A_383 = arith.constant 0 : i32
    %dma_wait3A_384 = tpu.memref_slice %arg5[%arg1, %dma_wait3A_381, %dma_wait3A_382, %dma_wait3A_383] : memref<16x4x16x1024xf32, #tpu.memory_space<vmem_shared>> -> memref<1x4x16x1024xf32, #tpu.memory_space<vmem_shared>>
    %dma_wait3A_385 = tpu.memref_squeeze %dma_wait3A_384 : memref<1x4x16x1024xf32, #tpu.memory_space<vmem_shared>> -> memref<4x16x1024xf32, #tpu.memory_space<vmem_shared>>
    %dma_wait3A_386 = arith.constant 0 : i32
    %dma_wait3A_387 = arith.constant 0 : i32
    %dma_wait3A_388 = tpu.memref_slice %dma_wait3A_385[%dma_wait3A_378, %dma_wait3A_386, %dma_wait3A_387] : memref<4x16x1024xf32, #tpu.memory_space<vmem_shared>> -> memref<1x16x1024xf32, #tpu.memory_space<vmem_shared>>
    %dma_wait3A_389 = tpu.memref_squeeze %dma_wait3A_388 : memref<1x16x1024xf32, #tpu.memory_space<vmem_shared>> -> memref<16x1024xf32, #tpu.memory_space<vmem_shared>>
    tpu.wait_dma2 semaphore(%arg18 : memref<!tpu.dma_semaphore, #tpu.memory_space<semaphore_mem>>) src(%dma_wait3A_389 : memref<16x1024xf32, #tpu.memory_space<vmem_shared>>) dst(%dma_wait3A_380 : memref<16x1024xf32, #tpu.memory_space<hbm>>)
    %dma_wait3A_390 = arith.constant 1 : i32
    %dma_wait3A_391 = arith.constant 0 : i32
    %dma_wait3A_392 = arith.constant 0 : i32
    %dma_wait3A_393 = tpu.memref_slice %arg4[%dma_wait3A_390, %dma_wait3A_391, %dma_wait3A_392] : memref<4x16x1024xf32, #tpu.memory_space<vmem>> -> memref<1x16x1024xf32, #tpu.memory_space<vmem>>
    %dma_wait3A_394 = tpu.memref_squeeze %dma_wait3A_393 : memref<1x16x1024xf32, #tpu.memory_space<vmem>> -> memref<16x1024xf32, #tpu.memory_space<vmem>>
    %dma_wait3A_395 = arith.constant 0 : i32
    %dma_wait3A_396 = tpu.memref_slice %arg3[%add3A_207, %dma_wait3A_395] : memref<4096x1024xf32, #tpu.memory_space<hbm>> -> memref<16x1024xf32, #tpu.memory_space<hbm>>
    %dma_wait3A_397 = arith.constant 0 : i32
    %dma_wait3A_398 = tpu.memref_slice %arg3[%add3A_207, %dma_wait3A_397] : memref<4096x1024xf32, #tpu.memory_space<hbm>> -> memref<16x1024xf32, #tpu.memory_space<hbm>>
    %dma_wait3A_399 = arith.constant 0 : i32
    %dma_wait3A_400 = arith.constant 0 : i32
    %dma_wait3A_401 = tpu.memref_slice %arg4[%dma_wait3A_390, %dma_wait3A_399, %dma_wait3A_400] : memref<4x16x1024xf32, #tpu.memory_space<vmem>> -> memref<1x16x1024xf32, #tpu.memory_space<vmem>>
    %dma_wait3A_402 = tpu.memref_squeeze %dma_wait3A_401 : memref<1x16x1024xf32, #tpu.memory_space<vmem>> -> memref<16x1024xf32, #tpu.memory_space<vmem>>
    tpu.wait_dma2 semaphore(%arg15 : memref<!tpu.dma_semaphore, #tpu.memory_space<semaphore_mem>>) src(%dma_wait3A_402 : memref<16x1024xf32, #tpu.memory_space<vmem>>) dst(%dma_wait3A_398 : memref<16x1024xf32, #tpu.memory_space<hbm>>)
    %dma_wait3A_403 = arith.constant 1 : i32
    %dma_wait3A_404 = arith.constant 0 : i32
    %dma_wait3A_405 = tpu.memref_slice %arg3[%add3A_236, %dma_wait3A_404] : memref<4096x1024xf32, #tpu.memory_space<hbm>> -> memref<16x1024xf32, #tpu.memory_space<hbm>>
    %dma_wait3A_406 = arith.constant 0 : i32
    %dma_wait3A_407 = arith.constant 0 : i32
    %dma_wait3A_408 = arith.constant 0 : i32
    %dma_wait3A_409 = tpu.memref_slice %arg5[%arg1, %dma_wait3A_406, %dma_wait3A_407, %dma_wait3A_408] : memref<16x4x16x1024xf32, #tpu.memory_space<vmem_shared>> -> memref<1x4x16x1024xf32, #tpu.memory_space<vmem_shared>>
    %dma_wait3A_410 = tpu.memref_squeeze %dma_wait3A_409 : memref<1x4x16x1024xf32, #tpu.memory_space<vmem_shared>> -> memref<4x16x1024xf32, #tpu.memory_space<vmem_shared>>
    %dma_wait3A_411 = arith.constant 0 : i32
    %dma_wait3A_412 = arith.constant 0 : i32
    %dma_wait3A_413 = tpu.memref_slice %dma_wait3A_410[%dma_wait3A_403, %dma_wait3A_411, %dma_wait3A_412] : memref<4x16x1024xf32, #tpu.memory_space<vmem_shared>> -> memref<1x16x1024xf32, #tpu.memory_space<vmem_shared>>
    %dma_wait3A_414 = tpu.memref_squeeze %dma_wait3A_413 : memref<1x16x1024xf32, #tpu.memory_space<vmem_shared>> -> memref<16x1024xf32, #tpu.memory_space<vmem_shared>>
    tpu.wait_dma2 semaphore(%arg19 : memref<!tpu.dma_semaphore, #tpu.memory_space<semaphore_mem>>) src(%dma_wait3A_414 : memref<16x1024xf32, #tpu.memory_space<vmem_shared>>) dst(%dma_wait3A_405 : memref<16x1024xf32, #tpu.memory_space<hbm>>)
    %dma_wait3A_415 = arith.constant 2 : i32
    %dma_wait3A_416 = arith.constant 0 : i32
    %dma_wait3A_417 = arith.constant 0 : i32
    %dma_wait3A_418 = tpu.memref_slice %arg4[%dma_wait3A_415, %dma_wait3A_416, %dma_wait3A_417] : memref<4x16x1024xf32, #tpu.memory_space<vmem>> -> memref<1x16x1024xf32, #tpu.memory_space<vmem>>
    %dma_wait3A_419 = tpu.memref_squeeze %dma_wait3A_418 : memref<1x16x1024xf32, #tpu.memory_space<vmem>> -> memref<16x1024xf32, #tpu.memory_space<vmem>>
    %dma_wait3A_420 = arith.constant 0 : i32
    %dma_wait3A_421 = tpu.memref_slice %arg3[%add3A_265, %dma_wait3A_420] : memref<4096x1024xf32, #tpu.memory_space<hbm>> -> memref<16x1024xf32, #tpu.memory_space<hbm>>
    %dma_wait3A_422 = arith.constant 0 : i32
    %dma_wait3A_423 = tpu.memref_slice %arg3[%add3A_265, %dma_wait3A_422] : memref<4096x1024xf32, #tpu.memory_space<hbm>> -> memref<16x1024xf32, #tpu.memory_space<hbm>>
    %dma_wait3A_424 = arith.constant 0 : i32
    %dma_wait3A_425 = arith.constant 0 : i32
    %dma_wait3A_426 = tpu.memref_slice %arg4[%dma_wait3A_415, %dma_wait3A_424, %dma_wait3A_425] : memref<4x16x1024xf32, #tpu.memory_space<vmem>> -> memref<1x16x1024xf32, #tpu.memory_space<vmem>>
    %dma_wait3A_427 = tpu.memref_squeeze %dma_wait3A_426 : memref<1x16x1024xf32, #tpu.memory_space<vmem>> -> memref<16x1024xf32, #tpu.memory_space<vmem>>
    tpu.wait_dma2 semaphore(%arg16 : memref<!tpu.dma_semaphore, #tpu.memory_space<semaphore_mem>>) src(%dma_wait3A_427 : memref<16x1024xf32, #tpu.memory_space<vmem>>) dst(%dma_wait3A_423 : memref<16x1024xf32, #tpu.memory_space<hbm>>)
    %dma_wait3A_428 = arith.constant 2 : i32
    %dma_wait3A_429 = arith.constant 0 : i32
    %dma_wait3A_430 = tpu.memref_slice %arg3[%add3A_294, %dma_wait3A_429] : memref<4096x1024xf32, #tpu.memory_space<hbm>> -> memref<16x1024xf32, #tpu.memory_space<hbm>>
    %dma_wait3A_431 = arith.constant 0 : i32
    %dma_wait3A_432 = arith.constant 0 : i32
    %dma_wait3A_433 = arith.constant 0 : i32
    %dma_wait3A_434 = tpu.memref_slice %arg5[%arg1, %dma_wait3A_431, %dma_wait3A_432, %dma_wait3A_433] : memref<16x4x16x1024xf32, #tpu.memory_space<vmem_shared>> -> memref<1x4x16x1024xf32, #tpu.memory_space<vmem_shared>>
    %dma_wait3A_435 = tpu.memref_squeeze %dma_wait3A_434 : memref<1x4x16x1024xf32, #tpu.memory_space<vmem_shared>> -> memref<4x16x1024xf32, #tpu.memory_space<vmem_shared>>
    %dma_wait3A_436 = arith.constant 0 : i32
    %dma_wait3A_437 = arith.constant 0 : i32
    %dma_wait3A_438 = tpu.memref_slice %dma_wait3A_435[%dma_wait3A_428, %dma_wait3A_436, %dma_wait3A_437] : memref<4x16x1024xf32, #tpu.memory_space<vmem_shared>> -> memref<1x16x1024xf32, #tpu.memory_space<vmem_shared>>
    %dma_wait3A_439 = tpu.memref_squeeze %dma_wait3A_438 : memref<1x16x1024xf32, #tpu.memory_space<vmem_shared>> -> memref<16x1024xf32, #tpu.memory_space<vmem_shared>>
    tpu.wait_dma2 semaphore(%arg20 : memref<!tpu.dma_semaphore, #tpu.memory_space<semaphore_mem>>) src(%dma_wait3A_439 : memref<16x1024xf32, #tpu.memory_space<vmem_shared>>) dst(%dma_wait3A_430 : memref<16x1024xf32, #tpu.memory_space<hbm>>)
    %dma_wait3A_440 = arith.constant 3 : i32
    %dma_wait3A_441 = arith.constant 0 : i32
    %dma_wait3A_442 = arith.constant 0 : i32
    %dma_wait3A_443 = tpu.memref_slice %arg4[%dma_wait3A_440, %dma_wait3A_441, %dma_wait3A_442] : memref<4x16x1024xf32, #tpu.memory_space<vmem>> -> memref<1x16x1024xf32, #tpu.memory_space<vmem>>
    %dma_wait3A_444 = tpu.memref_squeeze %dma_wait3A_443 : memref<1x16x1024xf32, #tpu.memory_space<vmem>> -> memref<16x1024xf32, #tpu.memory_space<vmem>>
    %dma_wait3A_445 = arith.constant 0 : i32
    %dma_wait3A_446 = tpu.memref_slice %arg3[%add3A_323, %dma_wait3A_445] : memref<4096x1024xf32, #tpu.memory_space<hbm>> -> memref<16x1024xf32, #tpu.memory_space<hbm>>
    %dma_wait3A_447 = arith.constant 0 : i32
    %dma_wait3A_448 = tpu.memref_slice %arg3[%add3A_323, %dma_wait3A_447] : memref<4096x1024xf32, #tpu.memory_space<hbm>> -> memref<16x1024xf32, #tpu.memory_space<hbm>>
    %dma_wait3A_449 = arith.constant 0 : i32
    %dma_wait3A_450 = arith.constant 0 : i32
    %dma_wait3A_451 = tpu.memref_slice %arg4[%dma_wait3A_440, %dma_wait3A_449, %dma_wait3A_450] : memref<4x16x1024xf32, #tpu.memory_space<vmem>> -> memref<1x16x1024xf32, #tpu.memory_space<vmem>>
    %dma_wait3A_452 = tpu.memref_squeeze %dma_wait3A_451 : memref<1x16x1024xf32, #tpu.memory_space<vmem>> -> memref<16x1024xf32, #tpu.memory_space<vmem>>
    tpu.wait_dma2 semaphore(%arg17 : memref<!tpu.dma_semaphore, #tpu.memory_space<semaphore_mem>>) src(%dma_wait3A_452 : memref<16x1024xf32, #tpu.memory_space<vmem>>) dst(%dma_wait3A_448 : memref<16x1024xf32, #tpu.memory_space<hbm>>)
    %dma_wait3A_453 = arith.constant 3 : i32
    %dma_wait3A_454 = arith.constant 0 : i32
    %dma_wait3A_455 = tpu.memref_slice %arg3[%add3A_352, %dma_wait3A_454] : memref<4096x1024xf32, #tpu.memory_space<hbm>> -> memref<16x1024xf32, #tpu.memory_space<hbm>>
    %dma_wait3A_456 = arith.constant 0 : i32
    %dma_wait3A_457 = arith.constant 0 : i32
    %dma_wait3A_458 = arith.constant 0 : i32
    %dma_wait3A_459 = tpu.memref_slice %arg5[%arg1, %dma_wait3A_456, %dma_wait3A_457, %dma_wait3A_458] : memref<16x4x16x1024xf32, #tpu.memory_space<vmem_shared>> -> memref<1x4x16x1024xf32, #tpu.memory_space<vmem_shared>>
    %dma_wait3A_460 = tpu.memref_squeeze %dma_wait3A_459 : memref<1x4x16x1024xf32, #tpu.memory_space<vmem_shared>> -> memref<4x16x1024xf32, #tpu.memory_space<vmem_shared>>
    %dma_wait3A_461 = arith.constant 0 : i32
    %dma_wait3A_462 = arith.constant 0 : i32
    %dma_wait3A_463 = tpu.memref_slice %dma_wait3A_460[%dma_wait3A_453, %dma_wait3A_461, %dma_wait3A_462] : memref<4x16x1024xf32, #tpu.memory_space<vmem_shared>> -> memref<1x16x1024xf32, #tpu.memory_space<vmem_shared>>
    %dma_wait3A_464 = tpu.memref_squeeze %dma_wait3A_463 : memref<1x16x1024xf32, #tpu.memory_space<vmem_shared>> -> memref<16x1024xf32, #tpu.memory_space<vmem_shared>>
    tpu.wait_dma2 semaphore(%arg21 : memref<!tpu.dma_semaphore, #tpu.memory_space<semaphore_mem>>) src(%dma_wait3A_464 : memref<16x1024xf32, #tpu.memory_space<vmem_shared>>) dst(%dma_wait3A_455 : memref<16x1024xf32, #tpu.memory_space<hbm>>)
    return
  }
}

</mosaic_0001>

<sc_bundles>
// kernel: kernel.3.cloned.1.call-start
scs
__scs_entry_jumppad:
0x0: {  	(pc) =	sbr.rel $0x88, $3  }
0x1: {  	(tag) =	ssettag $0x0;
	lr =	simm.s32 $0x1  }
0x2: {  	[smem:$0x3FA0] =	sst lr;
	_ =	strace $0xD0000000  }
0x3: {  	_ = 	snop  }
0x4: {  	_ = 	snop  }
0x5: {  	_ = 	snop  }
0x6: {  	_ = 	snop  }
0x7: {  	_ = 	snop  }
__scs_overlays_trampoline_lowered:
0x8: {  	[smem:$0x3FAF] =	sst s0  }
0x9: {  	[smem:$0x3FB0] =	sst s1  }
0xa: {  	[smem:$0x3FB1] =	sst s2  }
0xb: {  	[smem:$0x3FB2] =	sst s3  }
0xc: {  	[smem:$0x3FB3] =	sst s4  }
0xd: {  	[smem:$0x3FB4] =	sst s5  }
0xe: {  	[smem:$0x3FB5] =	sst s6  }
0xf: {  	[smem:$0x3FB6] =	sst s7  }
0x10: {  	[smem:$0x3FB7] =	sst s8  }
0x11: {  	[smem:$0x3FB8] =	sst s9;
	s0 =	simm.s32 @!p0 $0x0  }
0x12: {  	s1 =	sld [smem:$0x3F9E];
	s0 =	simm.s32 @p0 $0x1  }
0x13: {  	[smem:$0x3FB9] =	sst s0;
	s0 =	simm.s32 @!p1 $0x0  }
0x14: {  	s2 =	sld [smem:$0x3F9D];
	s0 =	simm.s32 @p1 $0x1  }
0x15: {  	[smem:$0x3FBA] =	sst s0;
	s0 =	simm.s32 @!p2 $0x0  }
0x16: {  	s3 =	sld [smem:$0x3FDB];
	s0 =	simm.s32 @p2 $0x1  }
0x17: {  	s4 =	simm.s32 $0x1BF5;
	[smem:$0x3FBC] =	sst s0  }
0x18: {  	s0 =	sld [smem:$0x3F9F];
	_ =	swait.ge [sflag:s4], $0x0  }
0x19: {  	s7 =	sld [smem:$0x3FA0]  }
0x1a: {  	s8 =	sadd.s32 $0xFFFFE003, lr  }
0x1b: {  	s9 =	sadd.s32 $0xFFFFFEF7, lr;
	s5 =	simm.s32 $0xFFFFFFFF;
	p2 =	slt.u32 s8, $0xFFFFF086  }
0x1c: {  	p1 =	slt.u32 s9, $0xF7A;
	s5 =	simm.s32 @!p2 $0x0  }
0x1d: {  	s5 =	simm.s32 @p1 $0x1;
	p0 =	seq.s32 s7, s2  }
0x1e: {  	s7 =	smul.u32 @!p0 $0xF7A, s2;
	p2 =	seq.s32 @!p0 s5, $0x0  }
0x1f: {  	s9 =	smul.u32 $0xF7A, s1;
	s8 =	simm.s32 @!p0 $0x1BF5;
	p2 =	por !p2, p0  }
0x20: {  	[sflag:s8] =	ssyncset.s32 @!p0 $0xFFFFF086;
	s6 =	sadd.s32 @!p0 s3, s7;
	s7 =	simm.s32 @!p0 $0x108  }
0x21: {  	s3 =	sadd.s32 s3, s9;
	s6 =	sadd.s32 @!p0 $0x88, s6;
	s7 =	simm.s32 @p2 $0x1082  }
0x22: {  	[simem:s7], [sflag:s8] =	dma.local @!p0 [hbm:s6], $0xF7A  }
0x23: {  	s9 =	sor.u32 $0xD0000000, s2;
	s6 =	simm.s32 $0x108;
	_ =	swait.ge @!p0 [sflag:s8], $0x0  }
0x24: {  	s3 =	sadd.s32 $0x88, s3;
	s6 =	simm.s32 @!p1 $0x1082;
	[sflag:s4] =	ssyncset.s32 $0xFFFFF086  }
0x25: {  	[simem:s6], [sflag:s4] =	dma.local [hbm:s3], $0xF7A  }
0x26: {  	[smem:$0x3FA0] =	sst s1;
	(tag) =	ssettag s2;
	_ =	strace s9  }
0x27: {  	s1 =	sld [smem:$0x3FB0]  }
0x28: {  	s2 =	sld [smem:$0x3FB1]  }
0x29: {  	s4 =	sld [smem:$0x3FB3]  }
0x2a: {  	p0 =	seq.s32 s5, $0x0;
	s5 =	sld [smem:$0x3FB4]  }
0x2b: {  	s6 =	sld [smem:$0x3FB5]  }
0x2c: {  	s7 =	sld [smem:$0x3FB6]  }
0x2d: {  	s3 =	simm.s32 $0x108;
	s8 =	sld [smem:$0x3FB7]  }
0x2e: {  	s3 =	simm.s32 @!p0 $0x1082;
	s9 =	sld [smem:$0x3FB8]  }
0x2f: {  	lr =	sadd.s32 s0, s3;
	s0 =	sld [smem:$0x3FAF]  }
0x30: {  	s3 =	sld [smem:$0x3FB2]  }
0x31: {  	[smem:$0x3FBB] =	sst s10  }
0x32: {  	s10 =	sld [smem:$0x3FB9];
	_ =	sdelay $0x3  }
0x33: {  	p0 =	seq.s32 s10, $0x1;
	s10 =	sld [smem:$0x3FBB];
	_ =	sdelay $0x3  }
0x34: {  	[smem:$0x3FBB] =	sst s10  }
0x35: {  	s10 =	sld [smem:$0x3FBA];
	_ =	sdelay $0x3  }
0x36: {  	p1 =	seq.s32 s10, $0x1;
	s10 =	sld [smem:$0x3FBB];
	_ =	sdelay $0x3  }
0x37: {  	[smem:$0x3FBB] =	sst s10  }
0x38: {  	s10 =	sld [smem:$0x3FBC]  }
0x39: {  	_ = 	snop;
	(pc) =	sbr.ind lr, $3  }
0x3a: {  	_ = 	snop  }
0x3b: {  	_ = 	snop  }
0x3c: {  	p2 =	seq.s32 s10, $0x1;
	s10 =	sld [smem:$0x3FBB]  }
0x3d: {  	_ =	shalt  }
0x3e: {  	_ =	shalt  }
0x3f: {  	_ =	shalt  }
0x40: {  	_ =	shalt  }
0x41: {  	_ =	shalt  }
0x42: {  	_ =	shalt  }
0x43: {  	_ =	shalt  }
0x44: {  	_ =	shalt  }
0x45: {  	_ =	shalt  }
0x46: {  	_ =	shalt  }
0x47: {  	_ =	shalt  }
0x48: {  	_ =	shalt  }
0x49: {  	_ =	shalt  }
0x4a: {  	_ =	shalt  }
0x4b: {  	_ =	shalt  }
0x4c: {  	_ =	shalt  }
0x4d: {  	_ =	shalt  }
0x4e: {  	_ =	shalt  }
0x4f: {  	_ =	shalt  }
0x50: {  	_ =	shalt  }
0x51: {  	_ =	shalt  }
0x52: {  	_ =	shalt  }
0x53: {  	_ =	shalt  }
0x54: {  	_ =	shalt  }
0x55: {  	_ =	shalt  }
0x56: {  	_ =	shalt  }
0x57: {  	_ =	shalt  }
0x58: {  	_ =	shalt  }
0x59: {  	_ =	shalt  }
0x5a: {  	_ =	shalt  }
0x5b: {  	_ =	shalt  }
0x5c: {  	_ =	shalt  }
0x5d: {  	_ =	shalt  }
0x5e: {  	_ =	shalt  }
0x5f: {  	_ =	shalt  }
0x60: {  	_ =	shalt  }
0x61: {  	_ =	shalt  }
0x62: {  	_ =	shalt  }
0x63: {  	_ =	shalt  }
0x64: {  	_ =	shalt  }
0x65: {  	_ =	shalt  }
0x66: {  	_ =	shalt  }
0x67: {  	_ =	shalt  }
0x68: {  	_ =	shalt  }
0x69: {  	_ =	shalt  }
0x6a: {  	_ =	shalt  }
0x6b: {  	_ =	shalt  }
0x6c: {  	_ =	shalt  }
0x6d: {  	_ =	shalt  }
0x6e: {  	_ =	shalt  }
0x6f: {  	_ =	shalt  }
0x70: {  	_ =	shalt  }
0x71: {  	_ =	shalt  }
0x72: {  	_ =	shalt  }
0x73: {  	_ =	shalt  }
0x74: {  	_ =	shalt  }
0x75: {  	_ =	shalt  }
0x76: {  	_ =	shalt  }
0x77: {  	_ =	shalt  }
0x78: {  	_ =	shalt  }
0x79: {  	_ =	shalt  }
0x7a: {  	_ =	shalt  }
0x7b: {  	_ =	shalt  }
0x7c: {  	_ =	shalt  }
0x7d: {  	_ =	shalt  }
0x7e: {  	_ =	shalt  }
0x7f: {  	_ =	shalt  }
0x80: {  	_ =	shalt  }
0x81: {  	_ =	shalt  }
0x82: {  	_ =	shalt  }
0x83: {  	_ =	shalt  }
0x84: {  	_ =	shalt  }
0x85: {  	_ =	shalt  }
0x86: {  	_ =	shalt  }
0x87: {  	_ =	shalt  }
.Lfunc_end0:
.L_simem_size_0:
called_computation_lowered:
.L_overlay_start_0:
0x88: {  	s2 =	sld [smem:$0x3FD9]  }
0x89: {  	s3 =	sld [smem:$0x3FFE];
	_ =	sdelay $0x1  }
0x8a: {  	s1 =	srdreg.scid  }
0x8b: {  	s0 =	sand.u32 $0x1, s1  }
0x8c: {  	s18 =	sshll.u32 s0, $0xA;
	s2 =	sadd.s32 s3, s2  }
0x8d: {  	s2 =	sadd.s32 s2, s18  }
0x8e: {  	[smem:$0x3FC7] =	sst s2  }
0x8f: {  	_ = 	snop  }
0x90: {  	s2 =	sld [smem:$0x3FC9]  }
0x91: {  	s19 =	sld [smem:$0x3FD0];
	(tm) =	ssettm $0x1  }
0x92: {  	s4 =	sld [smem:$0x3FFB];
	_ =	sdelay $0x3  }
0x93: {  	_ =	strace s4  }
0x94: {  	s4 =	sld [smem:$0x3FFC];
	_ =	sdelay $0x3  }
0x95: {  	_ =	strace s4  }
0x96: {  	s4 =	sld [smem:$0x3FFD];
	_ =	sdelay $0x3  }
0x97: {  	_ =	strace s4  }
0x98: {  	_ =	strace $0x8FFFFFFF  }
0x99: {  	s20 =	sld [smem:$0x3FDB];
	_ =	sdelay $0x1  }
0x9a: {  	s5 =	simm.s32 $_scs_section_size  }
0x9b: {  	s6 =	simm.s32 $_size__tile_overlayer_lowered;
	s7 =	simm.s32 $_tile_overlayer_lowered  }
0x9c: {  	s23 =	simm.s32 $0x1BFF;
	s22 =	sshll.u32 s7, $0x1;
	s4 =	sadd.s32 s5, s20  }
0x9d: {  	s8 =	simm.s32 $0x0;
	s21 =	sshll.u32 s6, $0x1;
	s6 =	sadd.s32 s22, s4  }
0x9e: {  	[timem:s8], [sflag:s23] =	dma.local [hbm:s6], s21  }
0x9f: {  	_ =	swait.ge [sflag:s23], s21  }
0xa0: {  	s5 =	ssub.s32 $0x0, s21;
	[sflag:s23] =	ssyncset.done $0x0  }
0xa1: {  	[sflag:s23] =	ssyncadd.s32 s5;
	_ =	sdelay $0x1  }
0xa2: {  	s24 =	simm.s32 $0x1B8B  }
0xa3: {  	_ =	swait.ge [sflag:s24], $0x1  }
0xa4: {  	[sflag:s24] =	ssyncset.done $0x0  }
0xa5: {  	s25 =	simm.s32 $0x1B8E;
	[sflag:s24] =	ssyncadd.s32 $0xFFFFFFFF  }
0xa6: {  	s26 =	simm.s32 $execute0_lowered;
	[smem:$0x3FD2] =	sst s25  }
0xa7: {  	s5 =	sshll.u32 s26, $0x1;
	_ =	strace $0x80000046;
	[dreg:$0x1] =	wrdreg $0xFFFFFFFF  }
0xa8: {  	s28 =	simm.s32 $_size_execute0_lowered;
	s4 =	sadd.s32 s4, s5;
	[dreg:$0x0] =	wrdreg $0x0  }
0xa9: {  	s5 =	sshll.u32 s28, $0x1;
	[dreg:$0x2] =	wrdreg s4  }
0xaa: {  	[dreg:$0x3] =	wrdreg s5  }
0xab: {  	[dreg:$0x4] =	wrdreg $0xC0  }
0xac: {  	_ =	task [dreg:s8], $0x5FFFF  }
0xad: {  	[dreg:$0x1] =	wrdreg $0xFFFFFFFF  }
0xae: {  	[dreg:$0x0] =	wrdreg $0x60  }
0xaf: {  	[dreg:$0x2] =	wrdreg s2  }
0xb0: {  	[dreg:$0x3] =	wrdreg s19  }
0xb1: {  	[dreg:$0x4] =	wrdreg $0x100000  }
0xb2: {  	[dreg:$0x5] =	wrdreg $0x9  }
0xb3: {  	_ =	task.clear_ibuf [dreg:s8], $0x6FFFF;
	_ =	strace $0x90000046  }
0xb4: {  	s29 =	simm.s32 $0x9;
	_ =	strace $0x80000048  }
0xb5: {  	_ =	swait.ge [sflag:s29], $0x1  }
0xb6: {  	[sflag:s29] =	ssyncadd.s32 $0xFFFFFFFF  }
0xb7: {  	_ =	strace $0x90000048  }
0xb8: {  	_ =	sfence  }
0xb9: {  	s30 =	sld [smem:$0x0];
	_ =	sdelay $0x2  }
0xba: {  	s31 =	sshll.u32 s1, $0xD;
	s1 =	sshrl.u32 s1, $0x2  }
0xbb: {  	s3 =	sand.u32 $0x4000, s31;
	s1 =	sadd.s32 s1, s30  }
0xbc: {  	s0 =	sor.u32 s3, s0;
	s1 =	sshll.u32 s1, $0x11  }
0xbd: {  	s0 =	sor.u32 s1, s0  }
0xbe: {  	s0 =	sadd.s32 $0x8F2B, s0  }
0xbf: {  	[sflag:s0] =	ssyncadd.remote.s32 $0x1  }
0xc0: {  	_ =	sfence.sel $0xFFFF  }
0xc1: {  	[dreg:$0x0] =	wrdreg $0xFFFFFFFF;
	(pc) =	sbr.abs _section_cstart, $3  }
0xc2: {  	[dreg:$0x1] =	wrdreg $0xFFFFFFFF  }
0xc3: {  	_ =	task.clear_ibuf [dreg:s8], $0x2FFFF;
	_ =	strace $0x9FFFFFFF  }
0xc4: {  	(tm) =	ssettm $0x7FFFFFFF  }
0xc5: {  	_ =	shalt  }
tec
execute0_lowered:
.L_overlay_start_1:
0x0: {  	(tag) =	ssettag $0x1  }
0x1: {  	s0 =	rddreg [dreg:$0x0]  }
0x2: {  	s1 =	rddreg [dreg:$0x1]  }
0x3: {  	s3 =	rddreg [dreg:$0x2];
	s2 =	srdreg.scid  }
0x4: {  	s20 =	rddreg [dreg:$0x3];
	s26 =	stileid.u32;
	s31 =	simm.s32 $0x4000  }
0x5: {  	s30 =	simm.s32 $0x8000;
	s4 =	sand.u32 $0x1, s2;
	s2 =	simm.s32 $0x0  }
0x6: {  	s5 =	sshll.u32 s26, $0xF;
	s29 =	sshll.u32 s26, $0x6;
	s6 =	sshll.u32 s4, $0xE  }
0x7: {  	[smem:$0x7FF] =	sst s2;
	s18 =	sor.u32 $0x1C05, s29;
	s5 =	sor.u32 s6, s5  }
0x8: {  	_ =	strace $0x80000047;
	[dreg:$0x6] =	wrdreg s18;
	s6 =	sadd.s32 s0, s5  }
0x9: {  	s7 =	sor.u32 $0x2000, s5;
	s25 =	sadd.s32 s1, s5;
	[dreg:$0x4] =	wrdreg s6  }
0xa: {  	s8 =	sor.u32 $0x800, s5;
	s17 =	sadd.s32 s0, s7;
	[dreg:$0xd] =	wrdreg s25  }
0xb: {  	s9 =	sor.u32 $0x2800, s5;
	s19 =	sadd.s32 s0, s8;
	[dreg:$0x5] =	wrdreg s17  }
0xc: {  	s10 =	sor.u32 $0x1000, s5;
	s21 =	sadd.s32 s0, s9;
	[dreg:$0x7] =	wrdreg s19  }
0xd: {  	s11 =	sor.u32 $0x3000, s5;
	s22 =	sadd.s32 s0, s10;
	[dreg:$0x8] =	wrdreg s21  }
0xe: {  	s12 =	sor.u32 $0x1800, s5;
	s23 =	sadd.s32 s0, s11;
	[dreg:$0x9] =	wrdreg s22  }
0xf: {  	s13 =	sor.u32 $0x3800, s5;
	s24 =	sadd.s32 s0, s12;
	[dreg:$0xa] =	wrdreg s23  }
0x10: {  	p0 =	por $0x0, $0x0;
	s0 =	sadd.s32 s0, s13;
	[dreg:$0xb] =	wrdreg s24  }
0x11: {  	s4 =	ssub.s32 $0x2, s4;
	s5 =	sadd.s32 s1, s7;
	[dreg:$0xc] =	wrdreg s0  }
0x12: {  	s6 =	sadd.s32 s1, s8;
	s7 =	sshrl.u32 s4, $0x1;
	[dreg:$0xe] =	wrdreg s5  }
0x13: {  	s8 =	sadd.s32 s1, s9;
	s9 =	sadd.s32 s1, s10;
	[dreg:$0xf] =	wrdreg s6  }
0x14: {  	s10 =	sshll.u32 s26, $0x10;
	s11 =	sadd.s32 s1, s11;
	[dreg:$0x10] =	wrdreg s8  }
0x15: {  	s12 =	sadd.s32 s1, s12;
	s14 =	sadd.s32 s1, s13;
	[dreg:$0x11] =	wrdreg s9  }
0x16: {  	s25 =	simm.s32 $0x1;
	s13 =	simm.s32 $0x9;
	[dreg:$0x12] =	wrdreg s11  }
0x17: {  	s4 =	ssub.s32 s4, s7;
	s28 =	sadd.s32 s10, s3;
	[dreg:$0x13] =	wrdreg s12  }
0x18: {  	[dreg:$0x14] =	wrdreg s14;
	s24 =	simm.s32 $0x5;
	s23 =	simm.s32 $0x2  }
0x19: {  	s22 =	simm.s32 $0x6;
	s21 =	simm.s32 $0x3;
	s19 =	simm.s32 $0x7  }
0x1a: {  	s17 =	simm.s32 $0x4;
	s11 =	simm.s32 $0xD;
	s16 =	smax.u32 s4, $0x1  }
0x1b: {  	s10 =	simm.s32 $0xA;
	s9 =	simm.s32 $0xE;
	p1 =	sne.s32 s16, $0x1  }
.Ltmp0:
0x1c: {  	s7 =	simm.s32 $0xB;
	s6 =	simm.s32 $0xC;
	(pc) =	sbr.rel @!p1 .LBB2_5-.Ltmp0, $4  }
0x1d: {  	s3 =	sadd.s32 $0x4000, s28;
	s15 =	sadd.s32 $0x8000, s28;
	s5 =	sadd.s32 $0xC000, s28  }
0x1e: {  	s4 =	simm.s32 $0x10;
	s18 =	sshrl.u32 s3, $0x3;
	s14 =	sshrl.u32 s15, $0x3  }
0x1f: {  	s3 =	simm.s32 $0xC000;
	s8 =	sshrl.u32 s5, $0x3;
	s15 =	simm.s32 $0x8  }
0x20: {  	s5 =	simm.s32 $0xF;
	s12 =	sadd.s32 $0xFFFFFFFF, s16;
	s16 =	rddreg [dreg:$0x6]  }
0x21: {  	s0 =	rddreg [dreg:$0x4]  }
0x22: {  	s1 =	rddreg [dreg:$0x5]  }
0x23: {  	[dreg:$0x1a] =	wrdreg s28;
	s28 =	sshrl.u32 s28, $0x3;
	s6 =	sor.u32 $0x1C06, s29  }
0x24: {  	[tilespmem:s2], [sflag:$0x1] =	stream.linear.gather [hbm4b:s0+s2], $0x4000, $0x38;
	v63 =	vld [tilespmem:$0x0]  }
0x25: {  	[spmem:s28], [sflag:s16] =	dma.local [hbm:s1], $0x800  }
0x26: {  	[dreg:$0x15] =	wrdreg s6  }
0x27: {  	s5 =	rddreg [dreg:$0x7]  }
0x28: {  	s9 =	sor.u32 $0x1C07, s29;
	s1 =	rddreg [dreg:$0x8]  }
0x29: {  	[tilespmem:s31], [sflag:$0x2] =	stream.linear.gather [hbm4b:s5+s2], $0x4000, $0x38;
	v63 =	vld [tilespmem:$0x0]  }
0x2a: {  	[spmem:s18], [sflag:s6] =	dma.local [hbm:s1], $0x800  }
0x2b: {  	[dreg:$0x16] =	wrdreg s9  }
0x2c: {  	s7 =	rddreg [dreg:$0x9]  }
0x2d: {  	s26 =	sor.u32 $0x1C08, s29;
	s1 =	rddreg [dreg:$0xa]  }
0x2e: {  	[tilespmem:s30], [sflag:$0x3] =	stream.linear.gather [hbm4b:s7+s2], $0x4000, $0x38;
	v63 =	vld [tilespmem:$0x0]  }
0x2f: {  	[spmem:s14], [sflag:s9] =	dma.local [hbm:s1], $0x800  }
0x30: {  	[dreg:$0x17] =	wrdreg s26  }
0x31: {  	s20 =	rddreg [dreg:$0xb]  }
0x32: {  	s1 =	rddreg [dreg:$0xc]  }
0x33: {  	[tilespmem:s3], [sflag:$0x4] =	stream.linear.gather [hbm4b:s20+s2], $0x4000, $0x38;
	v63 =	vld [tilespmem:$0x0]  }
0x34: {  	[spmem:s8], [sflag:s26] =	dma.local [hbm:s1], $0x800  }
0x35: {  	_ =	swait.ge [sflag:s25], $0x4000  }
0x36: {  	[sflag:s25] =	ssyncset.done $0x0  }
0x37: {  	s1 =	rddreg [dreg:$0xd];
	[sflag:s25] =	ssyncadd.s32 $0xFFFFC000  }
0x38: {  	[hbm4b:s1+s2] =	stream.linear.scatter [tilespmem:s2], [sflag:$0x9], $0x4000, $0x38;
	v63 =	vld [tilespmem:$0x0]  }
0x39: {  	s16 =	sor.u32 $0x1C0D, s29;
	_ =	swait.ge [sflag:s24], $0x800  }
0x3a: {  	[dreg:$0x18] =	wrdreg s16;
	[sflag:s24] =	ssyncset.done $0x0  }
0x3b: {  	s3 =	rddreg [dreg:$0xe];
	[sflag:s24] =	ssyncadd.s32 $0xFFFFF800  }
0x3c: {  	[hbm:s3], [sflag:s16] =	dma.local [spmem:s28], $0x800  }
0x3d: {  	_ =	swait.ge [sflag:s23], $0x4000  }
0x3e: {  	[sflag:s23] =	ssyncset.done $0x0  }
0x3f: {  	s20 =	rddreg [dreg:$0xf];
	[sflag:s23] =	ssyncadd.s32 $0xFFFFC000  }
0x40: {  	[hbm4b:s20+s2] =	stream.linear.scatter [tilespmem:s31], [sflag:$0xA], $0x4000, $0x38;
	v63 =	vld [tilespmem:$0x0]  }
0x41: {  	_ =	swait.ge [sflag:s22], $0x800  }
0x42: {  	[sflag:s22] =	ssyncset.done $0x0  }
0x43: {  	s1 =	sor.u32 $0x1C0E, s29;
	s26 =	rddreg [dreg:$0x10];
	[sflag:s22] =	ssyncadd.s32 $0xFFFFF800  }
0x44: {  	[hbm:s26], [sflag:s1] =	dma.local [spmem:s18], $0x800  }
0x45: {  	_ =	swait.ge [sflag:s21], $0x4000  }
0x46: {  	[sflag:s21] =	ssyncset.done $0x0  }
0x47: {  	s31 =	simm.s32 $0x8000;
	s16 =	rddreg [dreg:$0x11];
	[sflag:s21] =	ssyncadd.s32 $0xFFFFC000  }
0x48: {  	[hbm4b:s16+s2] =	stream.linear.scatter [tilespmem:s31], [sflag:$0xB], $0x4000, $0x38;
	v63 =	vld [tilespmem:$0x0]  }
0x49: {  	_ =	swait.ge [sflag:s19], $0x800  }
0x4a: {  	[sflag:s19] =	ssyncset.done $0x0  }
0x4b: {  	s26 =	sor.u32 $0x1C0F, s29;
	s20 =	rddreg [dreg:$0x12];
	[sflag:s19] =	ssyncadd.s32 $0xFFFFF800  }
0x4c: {  	[hbm:s20], [sflag:s26] =	dma.local [spmem:s14], $0x800  }
0x4d: {  	_ =	swait.ge [sflag:s17], $0x4000  }
0x4e: {  	[sflag:s17] =	ssyncset.done $0x0  }
0x4f: {  	s30 =	simm.s32 $0xC000;
	s16 =	rddreg [dreg:$0x13];
	[sflag:s17] =	ssyncadd.s32 $0xFFFFC000  }
0x50: {  	[hbm4b:s16+s2] =	stream.linear.scatter [tilespmem:s30], [sflag:$0xC], $0x4000, $0x38;
	v63 =	vld [tilespmem:$0x0]  }
0x51: {  	_ =	swait.ge [sflag:s15], $0x800  }
0x52: {  	[dreg:$0x19] =	wrdreg s29;
	[sflag:s15] =	ssyncset.done $0x0  }
0x53: {  	s3 =	sor.u32 $0x1C10, s29;
	s20 =	rddreg [dreg:$0x14];
	[sflag:s15] =	ssyncadd.s32 $0xFFFFF800  }
0x54: {  	[hbm:s20], [sflag:s3] =	dma.local [spmem:s8], $0x800  }
0x55: {  	_ =	swait.ge [sflag:s13], $0x4000  }
0x56: {  	[sflag:s13] =	ssyncset.done $0x0  }
0x57: {  	[sflag:s13] =	ssyncadd.s32 $0xFFFFC000  }
0x58: {  	_ =	swait.ge [sflag:s11], $0x800  }
0x59: {  	[sflag:s11] =	ssyncset.done $0x0  }
0x5a: {  	[sflag:s11] =	ssyncadd.s32 $0xFFFFF800  }
0x5b: {  	_ =	swait.ge [sflag:s10], $0x4000  }
0x5c: {  	[sflag:s10] =	ssyncset.done $0x0  }
0x5d: {  	s4 =	simm.s32 $0xE;
	[sflag:s10] =	ssyncadd.s32 $0xFFFFC000  }
0x5e: {  	_ =	swait.ge [sflag:s4], $0x800  }
0x5f: {  	[sflag:s4] =	ssyncset.done $0x0  }
0x60: {  	s9 =	simm.s32 $0xB;
	[sflag:s4] =	ssyncadd.s32 $0xFFFFF800  }
0x61: {  	_ =	swait.ge [sflag:s9], $0x4000  }
0x62: {  	[sflag:s9] =	ssyncset.done $0x0  }
0x63: {  	s6 =	simm.s32 $0xF;
	[sflag:s9] =	ssyncadd.s32 $0xFFFFC000  }
0x64: {  	_ =	swait.ge [sflag:s6], $0x800  }
0x65: {  	[sflag:s6] =	ssyncset.done $0x0  }
0x66: {  	p1 =	sne.s32 s12, $0x1;
	s7 =	simm.s32 $0xC;
	[sflag:s6] =	ssyncadd.s32 $0xFFFFF800  }
.Ltmp1:
0x67: {  	_ =	swait.ge [sflag:s7], $0x4000;
	(pc) =	sbr.rel @!p1 .LBB2_2-.Ltmp1, $4  }
0x68: {  	[sflag:s7] =	ssyncset.done $0x0  }
0x69: {  	s5 =	simm.s32 $0x10;
	[sflag:s7] =	ssyncadd.s32 $0xFFFFC000  }
0x6a: {  	s12 =	sadd.s32 $0xFFFFFFFF, s12;
	p0 =	por $0x1, $0x1;
	_ =	swait.ge [sflag:s5], $0x800  }
0x6b: {  	s0 =	simm.s32 $0x4000;
	s16 =	rddreg [dreg:$0x6];
	[sflag:s5] =	ssyncset.done $0x0  }
.LBB2_3:
0x6c: {  	s20 =	rddreg [dreg:$0x4]  }
0x6d: {  	[sflag:s5] =	ssyncadd.s32 $0xFFFFF800;
	s29 =	rddreg [dreg:$0x5]  }
0x6e: {  	[tilespmem:s2], [sflag:$0x1] =	stream.linear.gather [hbm4b:s20+s2], $0x4000, $0x38;
	v63 =	vld [tilespmem:$0x0]  }
0x6f: {  	[spmem:s28], [sflag:s16] =	dma.local [hbm:s29], $0x800  }
0x70: {  	s16 =	rddreg [dreg:$0x7]  }
0x71: {  	s20 =	rddreg [dreg:$0x8]  }
0x72: {  	s29 =	rddreg [dreg:$0x15]  }
0x73: {  	[tilespmem:s0], [sflag:$0x2] =	stream.linear.gather [hbm4b:s16+s2], $0x4000, $0x38;
	v63 =	vld [tilespmem:$0x0]  }
0x74: {  	[spmem:s18], [sflag:s29] =	dma.local [hbm:s20], $0x800  }
0x75: {  	s16 =	rddreg [dreg:$0x9]  }
0x76: {  	s20 =	rddreg [dreg:$0xa]  }
0x77: {  	s29 =	rddreg [dreg:$0x16]  }
0x78: {  	[tilespmem:s31], [sflag:$0x3] =	stream.linear.gather [hbm4b:s16+s2], $0x4000, $0x38;
	v63 =	vld [tilespmem:$0x0]  }
0x79: {  	[spmem:s14], [sflag:s29] =	dma.local [hbm:s20], $0x800  }
0x7a: {  	s16 =	rddreg [dreg:$0xb]  }
0x7b: {  	s20 =	rddreg [dreg:$0xc]  }
0x7c: {  	s29 =	rddreg [dreg:$0x17]  }
0x7d: {  	[tilespmem:s30], [sflag:$0x4] =	stream.linear.gather [hbm4b:s16+s2], $0x4000, $0x38;
	v63 =	vld [tilespmem:$0x0]  }
0x7e: {  	[spmem:s8], [sflag:s29] =	dma.local [hbm:s20], $0x800  }
0x7f: {  	_ =	swait.ge [sflag:s25], $0x4000  }
0x80: {  	[sflag:s25] =	ssyncset.done $0x0  }
0x81: {  	s29 =	rddreg [dreg:$0xd];
	[sflag:s25] =	ssyncadd.s32 $0xFFFFC000  }
0x82: {  	[hbm4b:s29+s2] =	stream.linear.scatter [tilespmem:s2], [sflag:$0x9], $0x4000, $0x38;
	v63 =	vld [tilespmem:$0x0]  }
0x83: {  	_ =	swait.ge [sflag:s24], $0x800  }
0x84: {  	[sflag:s24] =	ssyncset.done $0x0;
	s20 =	rddreg [dreg:$0xe]  }
0x85: {  	s29 =	rddreg [dreg:$0x18];
	[sflag:s24] =	ssyncadd.s32 $0xFFFFF800  }
0x86: {  	[hbm:s20], [sflag:s29] =	dma.local [spmem:s28], $0x800  }
0x87: {  	_ =	swait.ge [sflag:s23], $0x4000  }
0x88: {  	[sflag:s23] =	ssyncset.done $0x0  }
0x89: {  	s20 =	rddreg [dreg:$0xf];
	[sflag:s23] =	ssyncadd.s32 $0xFFFFC000  }
0x8a: {  	[hbm4b:s20+s2] =	stream.linear.scatter [tilespmem:s0], [sflag:$0xA], $0x4000, $0x38;
	v63 =	vld [tilespmem:$0x0]  }
0x8b: {  	_ =	swait.ge [sflag:s22], $0x800  }
0x8c: {  	[sflag:s22] =	ssyncset.done $0x0  }
0x8d: {  	s29 =	rddreg [dreg:$0x10];
	[sflag:s22] =	ssyncadd.s32 $0xFFFFF800  }
0x8e: {  	[hbm:s29], [sflag:s1] =	dma.local [spmem:s18], $0x800  }
0x8f: {  	_ =	swait.ge [sflag:s21], $0x4000  }
0x90: {  	[sflag:s21] =	ssyncset.done $0x0  }
0x91: {  	s20 =	rddreg [dreg:$0x11];
	[sflag:s21] =	ssyncadd.s32 $0xFFFFC000  }
0x92: {  	[hbm4b:s20+s2] =	stream.linear.scatter [tilespmem:s31], [sflag:$0xB], $0x4000, $0x38;
	v63 =	vld [tilespmem:$0x0]  }
0x93: {  	_ =	swait.ge [sflag:s19], $0x800  }
0x94: {  	[sflag:s19] =	ssyncset.done $0x0  }
0x95: {  	s29 =	rddreg [dreg:$0x12];
	[sflag:s19] =	ssyncadd.s32 $0xFFFFF800  }
0x96: {  	[hbm:s29], [sflag:s26] =	dma.local [spmem:s14], $0x800  }
0x97: {  	_ =	swait.ge [sflag:s17], $0x4000  }
0x98: {  	[sflag:s17] =	ssyncset.done $0x0  }
0x99: {  	s20 =	rddreg [dreg:$0x13];
	[sflag:s17] =	ssyncadd.s32 $0xFFFFC000  }
0x9a: {  	[hbm4b:s20+s2] =	stream.linear.scatter [tilespmem:s30], [sflag:$0xC], $0x4000, $0x38;
	v63 =	vld [tilespmem:$0x0]  }
0x9b: {  	_ =	swait.ge [sflag:s15], $0x800  }
0x9c: {  	[sflag:s15] =	ssyncset.done $0x0  }
0x9d: {  	s29 =	rddreg [dreg:$0x14];
	[sflag:s15] =	ssyncadd.s32 $0xFFFFF800  }
0x9e: {  	[hbm:s29], [sflag:s3] =	dma.local [spmem:s8], $0x800  }
0x9f: {  	_ =	swait.ge [sflag:s13], $0x4000  }
0xa0: {  	[sflag:s13] =	ssyncset.done $0x0  }
0xa1: {  	[sflag:s13] =	ssyncadd.s32 $0xFFFFC000  }
0xa2: {  	_ =	swait.ge [sflag:s11], $0x800  }
0xa3: {  	[sflag:s11] =	ssyncset.done $0x0  }
0xa4: {  	[sflag:s11] =	ssyncadd.s32 $0xFFFFF800  }
0xa5: {  	_ =	swait.ge [sflag:s10], $0x4000  }
0xa6: {  	[sflag:s10] =	ssyncset.done $0x0  }
0xa7: {  	[sflag:s10] =	ssyncadd.s32 $0xFFFFC000  }
0xa8: {  	_ =	swait.ge [sflag:s4], $0x800  }
0xa9: {  	[sflag:s4] =	ssyncset.done $0x0  }
0xaa: {  	[sflag:s4] =	ssyncadd.s32 $0xFFFFF800  }
0xab: {  	_ =	swait.ge [sflag:s9], $0x4000  }
0xac: {  	[sflag:s9] =	ssyncset.done $0x0  }
0xad: {  	[sflag:s9] =	ssyncadd.s32 $0xFFFFC000  }
0xae: {  	_ =	swait.ge [sflag:s6], $0x800  }
0xaf: {  	[sflag:s6] =	ssyncset.done $0x0  }
0xb0: {  	p1 =	sne.s32 s12, $0x1;
	[sflag:s6] =	ssyncadd.s32 $0xFFFFF800  }
.Ltmp2:
0xb1: {  	_ =	swait.ge [sflag:s7], $0x4000;
	(pc) =	sbr.rel @p1 .LBB2_3-.Ltmp2, $4  }
0xb2: {  	[sflag:s7] =	ssyncset.done $0x0  }
0xb3: {  	[sflag:s7] =	ssyncadd.s32 $0xFFFFC000  }
0xb4: {  	_ =	swait.ge [sflag:s5], $0x800  }
0xb5: {  	s12 =	sadd.s32 $0xFFFFFFFF, s12;
	s16 =	rddreg [dreg:$0x6];
	[sflag:s5] =	ssyncset.done $0x0  }
0xb6: {  	s20 =	rddreg [dreg:$0x3];
	s26 =	stileid.u32  }
0xb7: {  	s29 =	rddreg [dreg:$0x19];
	s30 =	simm.s32 $0x8000;
	s31 =	simm.s32 $0x4000  }
0xb8: {  	s28 =	rddreg [dreg:$0x1a];
	s4 =	simm.s32 $0x10;
	s5 =	simm.s32 $0xF  }
0xb9: {  	s6 =	simm.s32 $0xC;
	s7 =	simm.s32 $0xB;
	s9 =	simm.s32 $0xE  }
.LBB2_5:
0xba: {  	s0 =	rddreg [dreg:$0x4];
	[sflag:s4] =	ssyncadd.s32 @p0 $0xFFFFF800  }
0xbb: {  	[tilespmem:s2], [sflag:$0x1] =	stream.linear.gather [hbm4b:s0+s2], $0x4000, $0x38;
	v63 =	vld [tilespmem:$0x0]  }
0xbc: {  	s1 =	rddreg [dreg:$0x5];
	s0 =	sshrl.u32 s28, $0x3  }
0xbd: {  	[spmem:s0], [sflag:s16] =	dma.local [hbm:s1], $0x800  }
0xbe: {  	s1 =	rddreg [dreg:$0x7]  }
0xbf: {  	s12 =	sor.u32 $0x1C06, s29;
	s3 =	rddreg [dreg:$0x8]  }
0xc0: {  	[tilespmem:s31], [sflag:$0x2] =	stream.linear.gather [hbm4b:s1+s2], $0x4000, $0x38;
	v63 =	vld [tilespmem:$0x0]  }
0xc1: {  	[spmem:s18], [sflag:s12] =	dma.local [hbm:s3], $0x800  }
0xc2: {  	s1 =	rddreg [dreg:$0x9]  }
0xc3: {  	s16 =	sor.u32 $0x1C07, s29;
	s3 =	rddreg [dreg:$0xa]  }
0xc4: {  	[tilespmem:s30], [sflag:$0x3] =	stream.linear.gather [hbm4b:s1+s2], $0x4000, $0x38;
	v63 =	vld [tilespmem:$0x0]  }
0xc5: {  	[spmem:s14], [sflag:s16] =	dma.local [hbm:s3], $0x800  }
0xc6: {  	s1 =	rddreg [dreg:$0xb]  }
0xc7: {  	s28 =	sor.u32 $0x1C08, s29;
	s12 =	simm.s32 $0xC000;
	s3 =	rddreg [dreg:$0xc]  }
0xc8: {  	[tilespmem:s12], [sflag:$0x4] =	stream.linear.gather [hbm4b:s1+s2], $0x4000, $0x38;
	v63 =	vld [tilespmem:$0x0]  }
0xc9: {  	[spmem:s8], [sflag:s28] =	dma.local [hbm:s3], $0x800  }
0xca: {  	_ =	swait.ge [sflag:s25], $0x4000  }
0xcb: {  	[sflag:s25] =	ssyncset.done $0x0  }
0xcc: {  	s16 =	rddreg [dreg:$0xd];
	[sflag:s25] =	ssyncadd.s32 $0xFFFFC000  }
0xcd: {  	[hbm4b:s16+s2] =	stream.linear.scatter [tilespmem:s2], [sflag:$0x9], $0x4000, $0x38;
	v63 =	vld [tilespmem:$0x0]  }
0xce: {  	_ =	swait.ge [sflag:s24], $0x800  }
0xcf: {  	[sflag:s24] =	ssyncset.done $0x0  }
0xd0: {  	s28 =	sor.u32 $0x1C0D, s29;
	s25 =	rddreg [dreg:$0xe];
	[sflag:s24] =	ssyncadd.s32 $0xFFFFF800  }
0xd1: {  	[hbm:s25], [sflag:s28] =	dma.local [spmem:s0], $0x800  }
0xd2: {  	_ =	swait.ge [sflag:s23], $0x4000  }
0xd3: {  	[sflag:s23] =	ssyncset.done $0x0  }
0xd4: {  	s3 =	rddreg [dreg:$0xf];
	[sflag:s23] =	ssyncadd.s32 $0xFFFFC000  }
0xd5: {  	[hbm4b:s3+s2] =	stream.linear.scatter [tilespmem:s31], [sflag:$0xA], $0x4000, $0x38;
	v63 =	vld [tilespmem:$0x0]  }
0xd6: {  	_ =	swait.ge [sflag:s22], $0x800  }
0xd7: {  	[sflag:s22] =	ssyncset.done $0x0  }
0xd8: {  	s16 =	rddreg [dreg:$0x10];
	[sflag:s22] =	ssyncadd.s32 $0xFFFFF800;
	s22 =	sor.u32 $0x1C0E, s29  }
0xd9: {  	[hbm:s16], [sflag:s22] =	dma.local [spmem:s18], $0x800  }
0xda: {  	_ =	swait.ge [sflag:s21], $0x4000  }
0xdb: {  	[sflag:s21] =	ssyncset.done $0x0  }
0xdc: {  	s23 =	rddreg [dreg:$0x11];
	[sflag:s21] =	ssyncadd.s32 $0xFFFFC000  }
0xdd: {  	[hbm4b:s23+s2] =	stream.linear.scatter [tilespmem:s30], [sflag:$0xB], $0x4000, $0x38;
	v63 =	vld [tilespmem:$0x0]  }
0xde: {  	_ =	swait.ge [sflag:s19], $0x800  }
0xdf: {  	[sflag:s19] =	ssyncset.done $0x0  }
0xe0: {  	s25 =	sor.u32 $0x1C0F, s29;
	s24 =	rddreg [dreg:$0x12];
	[sflag:s19] =	ssyncadd.s32 $0xFFFFF800  }
0xe1: {  	[hbm:s24], [sflag:s25] =	dma.local [spmem:s14], $0x800  }
0xe2: {  	_ =	swait.ge [sflag:s17], $0x4000  }
0xe3: {  	[sflag:s17] =	ssyncset.done $0x0  }
0xe4: {  	s28 =	rddreg [dreg:$0x13];
	[sflag:s17] =	ssyncadd.s32 $0xFFFFC000  }
0xe5: {  	[hbm4b:s28+s2] =	stream.linear.scatter [tilespmem:s12], [sflag:$0xC], $0x4000, $0x38;
	v63 =	vld [tilespmem:$0x0]  }
0xe6: {  	_ =	swait.ge [sflag:s15], $0x800  }
0xe7: {  	[sflag:s15] =	ssyncset.done $0x0  }
0xe8: {  	s31 =	sor.u32 $0x1C10, s29;
	s30 =	rddreg [dreg:$0x14];
	[sflag:s15] =	ssyncadd.s32 $0xFFFFF800  }
0xe9: {  	[hbm:s30], [sflag:s31] =	dma.local [spmem:s8], $0x800  }
0xea: {  	_ =	swait.ge [sflag:s13], $0x4000  }
0xeb: {  	[sflag:s13] =	ssyncset.done $0x0  }
0xec: {  	[sflag:s13] =	ssyncadd.s32 $0xFFFFC000  }
0xed: {  	_ =	swait.ge [sflag:s11], $0x800  }
0xee: {  	[sflag:s11] =	ssyncset.done $0x0  }
0xef: {  	[sflag:s11] =	ssyncadd.s32 $0xFFFFF800  }
0xf0: {  	_ =	swait.ge [sflag:s10], $0x4000  }
0xf1: {  	[sflag:s10] =	ssyncset.done $0x0  }
0xf2: {  	[sflag:s10] =	ssyncadd.s32 $0xFFFFC000  }
0xf3: {  	_ =	swait.ge [sflag:s9], $0x800  }
0xf4: {  	[sflag:s9] =	ssyncset.done $0x0  }
0xf5: {  	[sflag:s9] =	ssyncadd.s32 $0xFFFFF800  }
0xf6: {  	_ =	swait.ge [sflag:s7], $0x4000  }
0xf7: {  	[sflag:s7] =	ssyncset.done $0x0  }
0xf8: {  	[sflag:s7] =	ssyncadd.s32 $0xFFFFC000  }
0xf9: {  	_ =	swait.ge [sflag:s5], $0x800  }
0xfa: {  	[sflag:s5] =	ssyncset.done $0x0  }
0xfb: {  	[sflag:s5] =	ssyncadd.s32 $0xFFFFF800  }
0xfc: {  	_ =	swait.ge [sflag:s6], $0x4000  }
0xfd: {  	[sflag:s6] =	ssyncset.done $0x0  }
0xfe: {  	[sflag:s6] =	ssyncadd.s32 $0xFFFFC000  }
0xff: {  	_ =	swait.ge [sflag:s4], $0x800  }
0x100: {  	[sflag:s4] =	ssyncset.done $0x0  }
0x101: {  	[sflag:s4] =	ssyncadd.s32 $0xFFFFF800  }
0x102: {  	_ =	sfence.sel $0x180000  }
0x103: {  	[bflag:$0x0] =	sbarrier.arrive $0xFFFF  }
0x104: {  	p0 =	sne.s32 s26, $0x0;
	_ =	strace $0x90000047  }
0x105: {  	s0 =	sadd.s32 @!p0 $0x100000, s20;
	[bflag:$0x2] =	sbarrier.arrive $0xFFFF  }
0x106: {  	[sflag:s0] =	ssyncadd.tile.s32 @!p0 $0x1;
	_ =	shalt  }
.LBB2_2:
.Ltmp3:
0x107: {  	(pc) =	sbr.rel .LBB2_5-.Ltmp3, $4  }
0x108: {  	s20 =	rddreg [dreg:$0x3];
	s26 =	stileid.u32  }
0x109: {  	s29 =	rddreg [dreg:$0x19];
	s30 =	simm.s32 $0x8000;
	s31 =	simm.s32 $0x4000  }
0x10a: {  	s28 =	rddreg [dreg:$0x1a];
	s4 =	simm.s32 $0x10;
	s5 =	simm.s32 $0xF  }
0x10b: {  	s6 =	simm.s32 $0xC;
	s7 =	simm.s32 $0xB;
	s9 =	simm.s32 $0xE  }
.Lfunc_end2:
_tile_overlayer_lowered:
.L_overlay_start_2:
0x10c: {  	(tag) =	ssettag $0x2  }
0x10d: {  	s0 =	rddreg [dreg:$0x0];
	s2 =	stileid.u32  }
0x10e: {  	s1 =	rddreg [dreg:$0x1];
	p0 =	sne.s32 s2, $0x0  }
0x10f: {  	s3 =	rddreg [dreg:$0x2];
	[bflag:$0x3] =	sbarrier.arrive $0xFFFF;
	s2 =	simm.s32 @!p0 $0x1C11  }
0x110: {  	[timem:s3], [sflag:s2] =	dma.local @!p0 [hbm:s0], s1  }
0x111: {  	s0 =	simm.s32 @!p0 $0x11  }
0x112: {  	_ =	swait.ge @!p0 [sflag:s0], s1  }
0x113: {  	s1 =	ssub.s32 @!p0 $0x0, s1;
	[sflag:s0] =	ssyncset.done @!p0 $0x0  }
0x114: {  	[sflag:s0] =	ssyncadd.s32 @!p0 s1  }
0x115: {  	[bflag:$0x3] =	sbarrier.arrive $0xFFFF  }
0x116: {  	_ =	shalt  }

</sc_bundles>
